<compile_context>
chip_gen: v7x
topology: tpu7x:2x2x1
jax: 0.10.2.dev20260603
libtpu: 0.0.44.dev20260713+nightly
codegen_flags: <defaults>
</compile_context>

<pallas_src>
import functools

import jax
import jax.numpy as jnp
from jax import lax
from jax.experimental import pallas as pl
from jax.experimental.pallas import tpu as pltpu
from jax.experimental.pallas import tpu_sc as plsc

N = 10000
E = 320000
D = 128
H = 128

NC = 2
NS = 16
NW = NC * NS
EP = E // NW
K = 80
NCH = EP // K
NP = 10112
SL = NP // NS

_mesh = plsc.VectorSubcoreMesh(core_axis_name="c", subcore_axis_name="s")



@functools.partial(
    pl.kernel,
    out_type=jax.ShapeDtypeStruct((NW, NP), jnp.float32),
    mesh=_mesh,
    compiler_params=pltpu.CompilerParams(needs_layout_passes=False),
    scratch_types=[
        pltpu.VMEM((EP,), jnp.int32),
        pltpu.VMEM((NP,), jnp.float32),
    ],
)
def _deg_kernel(dst_hbm, out_hbm, dst_v, deg_v):
    c = lax.axis_index("c")
    s = lax.axis_index("s")
    wid = c * NS + s
    pltpu.sync_copy(dst_hbm.at[wid], dst_v)

    def zero_body(i, carry):
        deg_v[pl.ds(i * 16, 16)] = jnp.zeros((16,), jnp.float32)
        return carry

    lax.fori_loop(0, NP // 16, zero_body, 0)

    def body(i, carry):
        idx = dst_v[pl.ds(i * 16, 16)]
        plsc.addupdate_scatter(deg_v, [idx], jnp.ones((16,), jnp.float32))
        return carry

    lax.fori_loop(0, EP // 16, body, 0)
    pltpu.sync_copy(deg_v, out_hbm.at[wid])


@functools.partial(
    pl.kernel,
    out_type=jax.ShapeDtypeStruct((NC, NP, H), jnp.float32),
    mesh=_mesh,
    scratch_types=[
        pltpu.VMEM((EP,), jnp.int32),
        pltpu.VMEM((NCH, K), jnp.int32),
        pltpu.VMEM((K, H), jnp.float32),
        pltpu.VMEM((K, H), jnp.float32),
        pltpu.VMEM_SHARED((NP, H), jnp.float32),
        pltpu.SemaphoreType.DMA,
        pltpu.SemaphoreType.DMA,
    ],
)
def _accum_kernel(h_hbm, src_hbm, dst_hbm, z_hbm, out_hbm,
                  src_v, dst_v, rows0_v, rows1_v, acc_sh, gsem0, gsem1):
    c = lax.axis_index("c")
    s = lax.axis_index("s")
    wid = c * NS + s
    pltpu.sync_copy(src_hbm.at[wid], src_v)
    pltpu.sync_copy(dst_hbm.at[wid], dst_v)
    pltpu.sync_copy(z_hbm, acc_sh.at[pl.ds(s * SL, SL)])
    plsc.subcore_barrier()

    rows = (rows0_v, rows1_v)
    gsem = (gsem0, gsem1)

    def gidx(j):
        return src_v.at[pl.ds(j * K, K)]

    pltpu.async_copy(h_hbm.at[gidx(0)], rows[0], gsem[0])
    pltpu.async_copy(h_hbm.at[gidx(1)], rows[1], gsem[1])

    def step(j, b):
        pltpu.make_async_copy(h_hbm.at[gidx(j)], rows[b], gsem[b]).wait()
        pltpu.sync_copy(rows[b], acc_sh.at[dst_v.at[j]], add=True)

        @pl.when(j < NCH - 2)
        def _():
            pltpu.async_copy(h_hbm.at[gidx(j + 2)], rows[b], gsem[b])

    def body(i, carry):
        for b in range(2):
            step(2 * i + b, b)
        return carry

    lax.fori_loop(0, NCH // 2, body, 0)
    if NCH % 2:
        step(NCH - 1, (NCH - 1) % 2)
    plsc.subcore_barrier()
    pltpu.sync_copy(acc_sh.at[pl.ds(s * SL, SL)],
                    out_hbm.at[c, pl.ds(s * SL, SL)])



RB = 1000
GRID = N // RB


def _tc1_body(x_ref, w_ref, degw_ref, h_ref, dis_ref):
    deg = jnp.sum(degw_ref[...], axis=1)
    dis = jnp.where(deg > 0.0, lax.rsqrt(deg), 0.0)
    h = jnp.dot(x_ref[...], w_ref[...], preferred_element_type=jnp.float32)
    h_ref[...] = dis[:, None] * h
    dis_ref[...] = dis[:, None]


_tc1 = pl.pallas_call(
    _tc1_body,
    grid=(GRID,),
    in_specs=[
        pl.BlockSpec((RB, D), lambda i: (i, 0)),
        pl.BlockSpec((D, H), lambda i: (0, 0)),
        pl.BlockSpec((RB, NW), lambda i: (i, 0)),
    ],
    out_specs=[
        pl.BlockSpec((RB, H), lambda i: (i, 0)),
        pl.BlockSpec((RB, 1), lambda i: (i, 0)),
    ],
    out_shape=[
        jax.ShapeDtypeStruct((N, H), jnp.float32),
        jax.ShapeDtypeStruct((N, 1), jnp.float32),
    ],
)


def _tc2_body(acc_ref, dis_ref, b1_ref, w2_ref, out_ref):
    a = acc_ref[0] + acc_ref[1]
    dis = dis_ref[...]
    h2 = jax.nn.relu(dis * a + b1_ref[...])
    out_ref[...] = dis * jnp.dot(h2, w2_ref[...],
                                 preferred_element_type=jnp.float32)


_tc2 = pl.pallas_call(
    _tc2_body,
    grid=(GRID,),
    in_specs=[
        pl.BlockSpec((NC, RB, H), lambda i: (0, i, 0)),
        pl.BlockSpec((RB, 1), lambda i: (i, 0)),
        pl.BlockSpec((1, H), lambda i: (0, 0)),
        pl.BlockSpec((H, H), lambda i: (0, 0)),
    ],
    out_specs=pl.BlockSpec((RB, H), lambda i: (i, 0)),
    out_shape=jax.ShapeDtypeStruct((N, H), jnp.float32),
)


def _tc3_body(acc_ref, dis_ref, b2_ref, out_ref):
    a = acc_ref[0] + acc_ref[1]
    out_ref[...] = dis_ref[...] * a + b2_ref[...]


_tc3 = pl.pallas_call(
    _tc3_body,
    grid=(GRID,),
    in_specs=[
        pl.BlockSpec((NC, RB, H), lambda i: (0, i, 0)),
        pl.BlockSpec((RB, 1), lambda i: (i, 0)),
        pl.BlockSpec((1, H), lambda i: (0, 0)),
    ],
    out_specs=pl.BlockSpec((RB, H), lambda i: (i, 0)),
    out_shape=jax.ShapeDtypeStruct((N, H), jnp.float32),
)



def kernel(x, edge_index, W1, b1, W2, b2):
    src = edge_index[0].reshape(NW, EP)
    dst = edge_index[1].reshape(NW, NCH, K)
    dst_flat = edge_index[1].reshape(NW, EP)
    zrow = jnp.zeros((SL, H), jnp.float32)

    degw = _deg_kernel(dst_flat).T
    h1p, dis = _tc1(x, W1, degw)
    a1 = _accum_kernel(h1p, src, dst, zrow)
    h2p = _tc2(a1, dis, b1.reshape(1, H), W2)
    a2 = _accum_kernel(h2p, src, dst, zrow)
    return _tc3(a2, dis, b2.reshape(1, H))

# --- scband reference (transcript-rebuilt; emitter-appended) ---
"""Pipeline reference for scband-gcn-80075370266806 (READ-ONLY COPY).

The authoritative reference and input builder live on the scoring server;
editing this copy changes nothing except your own understanding.
"""

import jax, jax.numpy as jnp
import numpy as np

N = 10000
E = 320000
D = 128
H = 128


def setup_inputs(seed: int = 0) -> dict:
    key = jax.random.key(seed)
    k1, k2, k3, k4, k5, k6 = jax.random.split(key, 6)
    x = jax.random.normal(k1, (N, D), dtype=jnp.float32)
    edge_index = jax.random.randint(k2, (2, E), 0, N, dtype=jnp.int32)
    W1 = jax.random.normal(k3, (D, H), dtype=jnp.float32) * 0.05
    b1 = jnp.zeros((H,), dtype=jnp.float32)
    W2 = jax.random.normal(k4, (H, H), dtype=jnp.float32) * 0.05
    b2 = jnp.zeros((H,), dtype=jnp.float32)
    return {"x": x, "edge_index": edge_index, "W1": W1, "b1": b1, "W2": W2, "b2": b2}


def gcn_conv(x, edge_index, W, b):
    # PyG GCNConv with add_self_loops=False, normalize=True (symmetric norm)
    src = edge_index[0]
    dst = edge_index[1]
    n = x.shape[0]
    # degree computed over destination (col) with unit edge weights
    deg = jnp.zeros((n,), dtype=x.dtype).at[dst].add(1.0)
    deg_inv_sqrt = jnp.where(deg > 0, deg ** -0.5, 0.0)
    norm = deg_inv_sqrt[src] * deg_inv_sqrt[dst]
    h = x @ W  # linear (no bias inside lin)
    msg = norm[:, None] * h[src]  # gather + scale
    out = jnp.zeros((n, h.shape[1]), dtype=h.dtype).at[dst].add(msg)  # scatter-add
    return out + b  # bias added after aggregation


def reference(x, edge_index, W1, b1, W2, b2):
    h = jax.nn.relu(gcn_conv(x, edge_index, W1, b1))
    out = gcn_conv(h, edge_index, W2, b2)
    return out

if __name__ == "__main__":
    import jax
    _d = setup_inputs()
    print(jax.jit(kernel)(*tuple(_d.values())))

</pallas_src>

<mosaic_0001>
#map = affine_map<(d0, d1) -> (0, 0)>
#map1 = affine_map<(d0, d1) -> (0, 0, 0)>
module attributes {stable_mosaic.version = 14 : i64} {
  func.func @_accum_kernel(%arg0: i32, %arg1: i32, %arg2: memref<10000x128xf32, #tpu.memory_space<hbm>>, %arg3: memref<32x10000xi32, #tpu.memory_space<hbm>>, %arg4: memref<32x125x80xi32, #tpu.memory_space<hbm>>, %arg5: memref<632x128xf32, #tpu.memory_space<hbm>>, %arg6: memref<2x10112x128xf32, #tpu.memory_space<hbm>>, %arg7: memref<10000xi32, #tpu.memory_space<vmem>>, %arg8: memref<125x80xi32, #tpu.memory_space<vmem>>, %arg9: memref<80x128xf32, #tpu.memory_space<vmem>>, %arg10: memref<80x128xf32, #tpu.memory_space<vmem>>, %arg11: memref<10112x128xf32, #tpu.memory_space<vmem_shared>>, %arg12: memref<!tpu.dma_semaphore, #tpu.memory_space<semaphore_mem>>, %arg13: memref<!tpu.dma_semaphore, #tpu.memory_space<semaphore_mem>>) attributes {dimension_semantics = [#tpu.dimension_semantics<core_parallel>, #tpu.dimension_semantics<subcore_parallel>], iteration_bounds = array<i64: 2, 16>, scalar_prefetch = 0 : i64, scratch_operands = 7 : i64, tpu.core_type = #tpu.core_type<sc_vector_subcore>, window_params = [{transform_indices = #map}, {transform_indices = #map}, {transform_indices = #map1}, {transform_indices = #map}, {transform_indices = #map1}]} {
    %mul3A = arith.constant 16 : i32
    %mul3A_0 = arith.muli %arg0, %mul3A : i32
    %add3A = arith.addi %mul3A_0, %arg1 : i32
    "tpu.region"() ({
      %run_scoped3A_26 = tpu.sem_alloc : memref<!tpu.dma_semaphore, #tpu.memory_space<semaphore_mem>>
      %dma_start3A_27 = arith.constant 0 : i32
      %dma_start3A_28 = tpu.memref_slice %arg3[%add3A, %dma_start3A_27] : memref<32x10000xi32, #tpu.memory_space<hbm>> -> memref<1x10000xi32, #tpu.memory_space<hbm>>
      %dma_start3A_29 = tpu.memref_squeeze %dma_start3A_28 : memref<1x10000xi32, #tpu.memory_space<hbm>> -> memref<10000xi32, #tpu.memory_space<hbm>>
      %dma_start3A_30 = arith.constant 0 : i32
      %dma_start3A_31 = tpu.memref_slice %arg3[%add3A, %dma_start3A_30] : memref<32x10000xi32, #tpu.memory_space<hbm>> -> memref<1x10000xi32, #tpu.memory_space<hbm>>
      %dma_start3A_32 = tpu.memref_squeeze %dma_start3A_31 : memref<1x10000xi32, #tpu.memory_space<hbm>> -> memref<10000xi32, #tpu.memory_space<hbm>>
      tpu.enqueue_dma source(%dma_start3A_32 : memref<10000xi32, #tpu.memory_space<hbm>>) target(%arg7 : memref<10000xi32, #tpu.memory_space<vmem>>) target_semaphore(%run_scoped3A_26 : memref<!tpu.dma_semaphore, #tpu.memory_space<semaphore_mem>>)
      %dma_wait3A_33 = arith.constant 0 : i32
      %dma_wait3A_34 = tpu.memref_slice %arg3[%add3A, %dma_wait3A_33] : memref<32x10000xi32, #tpu.memory_space<hbm>> -> memref<1x10000xi32, #tpu.memory_space<hbm>>
      %dma_wait3A_35 = tpu.memref_squeeze %dma_wait3A_34 : memref<1x10000xi32, #tpu.memory_space<hbm>> -> memref<10000xi32, #tpu.memory_space<hbm>>
      %dma_wait3A_36 = arith.constant 0 : i32
      %dma_wait3A_37 = tpu.memref_slice %arg3[%add3A, %dma_wait3A_36] : memref<32x10000xi32, #tpu.memory_space<hbm>> -> memref<1x10000xi32, #tpu.memory_space<hbm>>
      %dma_wait3A_38 = tpu.memref_squeeze %dma_wait3A_37 : memref<1x10000xi32, #tpu.memory_space<hbm>> -> memref<10000xi32, #tpu.memory_space<hbm>>
      tpu.wait_dma2 semaphore(%run_scoped3A_26 : memref<!tpu.dma_semaphore, #tpu.memory_space<semaphore_mem>>) src(%dma_wait3A_38 : memref<10000xi32, #tpu.memory_space<hbm>>) dst(%arg7 : memref<10000xi32, #tpu.memory_space<vmem>>)
      tpu.yield
    }) : () -> ()
    "tpu.region"() ({
      %run_scoped3A_26 = tpu.sem_alloc : memref<!tpu.dma_semaphore, #tpu.memory_space<semaphore_mem>>
      %dma_start3A_27 = arith.constant 0 : i32
      %dma_start3A_28 = arith.constant 0 : i32
      %dma_start3A_29 = tpu.memref_slice %arg4[%add3A, %dma_start3A_27, %dma_start3A_28] : memref<32x125x80xi32, #tpu.memory_space<hbm>> -> memref<1x125x80xi32, #tpu.memory_space<hbm>>
      %dma_start3A_30 = tpu.memref_squeeze %dma_start3A_29 : memref<1x125x80xi32, #tpu.memory_space<hbm>> -> memref<125x80xi32, #tpu.memory_space<hbm>>
      %dma_start3A_31 = arith.constant 0 : i32
      %dma_start3A_32 = arith.constant 0 : i32
      %dma_start3A_33 = tpu.memref_slice %arg4[%add3A, %dma_start3A_31, %dma_start3A_32] : memref<32x125x80xi32, #tpu.memory_space<hbm>> -> memref<1x125x80xi32, #tpu.memory_space<hbm>>
      %dma_start3A_34 = tpu.memref_squeeze %dma_start3A_33 : memref<1x125x80xi32, #tpu.memory_space<hbm>> -> memref<125x80xi32, #tpu.memory_space<hbm>>
      tpu.enqueue_dma source(%dma_start3A_34 : memref<125x80xi32, #tpu.memory_space<hbm>>) target(%arg8 : memref<125x80xi32, #tpu.memory_space<vmem>>) target_semaphore(%run_scoped3A_26 : memref<!tpu.dma_semaphore, #tpu.memory_space<semaphore_mem>>)
      %dma_wait3A_35 = arith.constant 0 : i32
      %dma_wait3A_36 = arith.constant 0 : i32
      %dma_wait3A_37 = tpu.memref_slice %arg4[%add3A, %dma_wait3A_35, %dma_wait3A_36] : memref<32x125x80xi32, #tpu.memory_space<hbm>> -> memref<1x125x80xi32, #tpu.memory_space<hbm>>
      %dma_wait3A_38 = tpu.memref_squeeze %dma_wait3A_37 : memref<1x125x80xi32, #tpu.memory_space<hbm>> -> memref<125x80xi32, #tpu.memory_space<hbm>>
      %dma_wait3A_39 = arith.constant 0 : i32
      %dma_wait3A_40 = arith.constant 0 : i32
      %dma_wait3A_41 = tpu.memref_slice %arg4[%add3A, %dma_wait3A_39, %dma_wait3A_40] : memref<32x125x80xi32, #tpu.memory_space<hbm>> -> memref<1x125x80xi32, #tpu.memory_space<hbm>>
      %dma_wait3A_42 = tpu.memref_squeeze %dma_wait3A_41 : memref<1x125x80xi32, #tpu.memory_space<hbm>> -> memref<125x80xi32, #tpu.memory_space<hbm>>
      tpu.wait_dma2 semaphore(%run_scoped3A_26 : memref<!tpu.dma_semaphore, #tpu.memory_space<semaphore_mem>>) src(%dma_wait3A_42 : memref<125x80xi32, #tpu.memory_space<hbm>>) dst(%arg8 : memref<125x80xi32, #tpu.memory_space<vmem>>)
      tpu.yield
    }) : () -> ()
    %mul3A_1 = arith.constant 632 : i32
    %mul3A_2 = arith.muli %arg1, %mul3A_1 : i32
    "tpu.region"() ({
      %run_scoped3A_26 = tpu.sem_alloc : memref<!tpu.dma_semaphore, #tpu.memory_space<semaphore_mem>>
      %dma_start3A_27 = arith.constant 0 : i32
      %dma_start3A_28 = tpu.memref_slice %arg11[%mul3A_2, %dma_start3A_27] : memref<10112x128xf32, #tpu.memory_space<vmem_shared>> -> memref<632x128xf32, #tpu.memory_space<vmem_shared>>
      tpu.enqueue_dma source(%arg5 : memref<632x128xf32, #tpu.memory_space<hbm>>) target(%dma_start3A_28 : memref<632x128xf32, #tpu.memory_space<vmem_shared>>) target_semaphore(%run_scoped3A_26 : memref<!tpu.dma_semaphore, #tpu.memory_space<semaphore_mem>>)
      %dma_wait3A_29 = arith.constant 0 : i32
      %dma_wait3A_30 = tpu.memref_slice %arg11[%mul3A_2, %dma_wait3A_29] : memref<10112x128xf32, #tpu.memory_space<vmem_shared>> -> memref<632x128xf32, #tpu.memory_space<vmem_shared>>
      tpu.wait_dma2 semaphore(%run_scoped3A_26 : memref<!tpu.dma_semaphore, #tpu.memory_space<semaphore_mem>>) src(%arg5 : memref<632x128xf32, #tpu.memory_space<hbm>>) dst(%dma_wait3A_30 : memref<632x128xf32, #tpu.memory_space<vmem_shared>>)
      tpu.yield
    }) : () -> ()
    %barrier3A = arith.constant 0 : index
    tpu.barrier barrier_id(%barrier3A)
    %dma_start3A = arith.constant 0 : i32
    %dma_start3A_3 = tpu.memref_slice %arg7[%dma_start3A] : memref<10000xi32, #tpu.memory_space<vmem>> -> memref<80xi32, #tpu.memory_space<vmem>>
    %dma_start3A_4 = arith.constant 0 : i32
    %dma_start3A_5 = arith.constant 0 : i32
    %dma_start3A_6 = tpu.memref_slice %arg2[%dma_start3A_4, %dma_start3A_5] : memref<10000x128xf32, #tpu.memory_space<hbm>> -> memref<10000x128xf32, #tpu.memory_space<hbm>>
    tpu.enqueue_indirect_dma source(%dma_start3A_6 : memref<10000x128xf32, #tpu.memory_space<hbm>>) target(%arg9 : memref<80x128xf32, #tpu.memory_space<vmem>>) offsets(%dma_start3A_3 : memref<80xi32, #tpu.memory_space<vmem>>) semaphore(%arg12 : memref<!tpu.dma_semaphore, #tpu.memory_space<semaphore_mem>>)
    %dma_start3A_7 = arith.constant 80 : i32
    %dma_start3A_8 = tpu.memref_slice %arg7[%dma_start3A_7] : memref<10000xi32, #tpu.memory_space<vmem>> -> memref<80xi32, #tpu.memory_space<vmem>>
    %dma_start3A_9 = arith.constant 0 : i32
    %dma_start3A_10 = arith.constant 0 : i32
    %dma_start3A_11 = tpu.memref_slice %arg2[%dma_start3A_9, %dma_start3A_10] : memref<10000x128xf32, #tpu.memory_space<hbm>> -> memref<10000x128xf32, #tpu.memory_space<hbm>>
    tpu.enqueue_indirect_dma source(%dma_start3A_11 : memref<10000x128xf32, #tpu.memory_space<hbm>>) target(%arg10 : memref<80x128xf32, #tpu.memory_space<vmem>>) offsets(%dma_start3A_8 : memref<80xi32, #tpu.memory_space<vmem>>) semaphore(%arg13 : memref<!tpu.dma_semaphore, #tpu.memory_space<semaphore_mem>>)
    %scan3A = arith.constant 0 : i32
    %scan3A_12 = arith.constant 0 : i32
    %scan3A_13 = arith.constant 62 : i32
    %scan3A_14 = arith.addi %scan3A_12, %scan3A_13 : i32
    %scan3A_15 = arith.constant 1 : i32
    scf.for %scan3A_26 = %scan3A_12 to %scan3A_14 step %scan3A_15  : i32 {
      %mul3A_27 = arith.constant 2 : i32
      %mul3A_28 = arith.muli %mul3A_27, %scan3A_26 : i32
      %add3A_29 = arith.constant 0 : i32
      %add3A_30 = arith.addi %mul3A_28, %add3A_29 : i32
      %mul3A_31 = arith.constant 80 : i32
      %mul3A_32 = arith.muli %add3A_30, %mul3A_31 : i32
      %dma_wait3A_33 = tpu.memref_slice %arg7[%mul3A_32] : memref<10000xi32, #tpu.memory_space<vmem>> -> memref<80xi32, #tpu.memory_space<vmem>>
      %dma_wait3A_34 = arith.constant 0 : i32
      %dma_wait3A_35 = arith.constant 0 : i32
      %dma_wait3A_36 = tpu.memref_slice %arg2[%dma_wait3A_34, %dma_wait3A_35] : memref<10000x128xf32, #tpu.memory_space<hbm>> -> memref<10000x128xf32, #tpu.memory_space<hbm>>
      tpu.wait_indirect_dma semaphore(%arg12 : memref<!tpu.dma_semaphore, #tpu.memory_space<semaphore_mem>>) src(%dma_wait3A_36 : memref<10000x128xf32, #tpu.memory_space<hbm>>) dst(%arg9 : memref<80x128xf32, #tpu.memory_space<vmem>>)
      "tpu.region"() ({
        %run_scoped3A_54 = tpu.sem_alloc : memref<!tpu.dma_semaphore, #tpu.memory_space<semaphore_mem>>
        %dma_start3A_55 = arith.constant 0 : i32
        %dma_start3A_56 = tpu.memref_slice %arg8[%add3A_30, %dma_start3A_55] : memref<125x80xi32, #tpu.memory_space<vmem>> -> memref<1x80xi32, #tpu.memory_space<vmem>>
        %dma_start3A_57 = tpu.memref_squeeze %dma_start3A_56 : memref<1x80xi32, #tpu.memory_space<vmem>> -> memref<80xi32, #tpu.memory_space<vmem>>
        %dma_start3A_58 = arith.constant 0 : i32
        %dma_start3A_59 = arith.constant 0 : i32
        %dma_start3A_60 = tpu.memref_slice %arg11[%dma_start3A_58, %dma_start3A_59] : memref<10112x128xf32, #tpu.memory_space<vmem_shared>> -> memref<10112x128xf32, #tpu.memory_space<vmem_shared>>
        tpu.enqueue_indirect_dma source(%arg9 : memref<80x128xf32, #tpu.memory_space<vmem>>) target(%dma_start3A_60 : memref<10112x128xf32, #tpu.memory_space<vmem_shared>>) offsets(%dma_start3A_57 : memref<80xi32, #tpu.memory_space<vmem>>) semaphore(%run_scoped3A_54 : memref<!tpu.dma_semaphore, #tpu.memory_space<semaphore_mem>>) {add = true}
        %dma_wait3A_61 = arith.constant 0 : i32
        %dma_wait3A_62 = tpu.memref_slice %arg8[%add3A_30, %dma_wait3A_61] : memref<125x80xi32, #tpu.memory_space<vmem>> -> memref<1x80xi32, #tpu.memory_space<vmem>>
        %dma_wait3A_63 = tpu.memref_squeeze %dma_wait3A_62 : memref<1x80xi32, #tpu.memory_space<vmem>> -> memref<80xi32, #tpu.memory_space<vmem>>
        %dma_wait3A_64 = arith.constant 0 : i32
        %dma_wait3A_65 = arith.constant 0 : i32
        %dma_wait3A_66 = tpu.memref_slice %arg11[%dma_wait3A_64, %dma_wait3A_65] : memref<10112x128xf32, #tpu.memory_space<vmem_shared>> -> memref<10112x128xf32, #tpu.memory_space<vmem_shared>>
        tpu.wait_indirect_dma semaphore(%run_scoped3A_54 : memref<!tpu.dma_semaphore, #tpu.memory_space<semaphore_mem>>) src(%arg9 : memref<80x128xf32, #tpu.memory_space<vmem>>) dst(%dma_wait3A_66 : memref<10112x128xf32, #tpu.memory_space<vmem_shared>>)
        tpu.yield
      }) : () -> ()
      %lt3A = arith.constant 123 : i32
      %lt3A_37 = arith.cmpi slt, %add3A_30, %lt3A : i32
      %convert_element_type3A = arith.extui %lt3A_37 : i1 to i32
      %cond3A = arith.constant 0 : i32
      %cond3A_38 = arith.cmpi ne, %convert_element_type3A, %cond3A : i32
      scf.if %cond3A_38 {
        %add3A_54 = arith.constant 2 : i32
        %add3A_55 = arith.addi %add3A_30, %add3A_54 : i32
        %mul3A_56 = arith.constant 80 : i32
        %mul3A_57 = arith.muli %add3A_55, %mul3A_56 : i32
        %dma_start3A_58 = tpu.memref_slice %arg7[%mul3A_57] : memref<10000xi32, #tpu.memory_space<vmem>> -> memref<80xi32, #tpu.memory_space<vmem>>
        %dma_start3A_59 = arith.constant 0 : i32
        %dma_start3A_60 = arith.constant 0 : i32
        %dma_start3A_61 = tpu.memref_slice %arg2[%dma_start3A_59, %dma_start3A_60] : memref<10000x128xf32, #tpu.memory_space<hbm>> -> memref<10000x128xf32, #tpu.memory_space<hbm>>
        tpu.enqueue_indirect_dma source(%dma_start3A_61 : memref<10000x128xf32, #tpu.memory_space<hbm>>) target(%arg9 : memref<80x128xf32, #tpu.memory_space<vmem>>) offsets(%dma_start3A_58 : memref<80xi32, #tpu.memory_space<vmem>>) semaphore(%arg12 : memref<!tpu.dma_semaphore, #tpu.memory_space<semaphore_mem>>)
      } else {
      }
      %mul3A_39 = arith.constant 2 : i32
      %mul3A_40 = arith.muli %mul3A_39, %scan3A_26 : i32
      %add3A_41 = arith.constant 1 : i32
      %add3A_42 = arith.addi %mul3A_40, %add3A_41 : i32
      %mul3A_43 = arith.constant 80 : i32
      %mul3A_44 = arith.muli %add3A_42, %mul3A_43 : i32
      %dma_wait3A_45 = tpu.memref_slice %arg7[%mul3A_44] : memref<10000xi32, #tpu.memory_space<vmem>> -> memref<80xi32, #tpu.memory_space<vmem>>
      %dma_wait3A_46 = arith.constant 0 : i32
      %dma_wait3A_47 = arith.constant 0 : i32
      %dma_wait3A_48 = tpu.memref_slice %arg2[%dma_wait3A_46, %dma_wait3A_47] : memref<10000x128xf32, #tpu.memory_space<hbm>> -> memref<10000x128xf32, #tpu.memory_space<hbm>>
      tpu.wait_indirect_dma semaphore(%arg13 : memref<!tpu.dma_semaphore, #tpu.memory_space<semaphore_mem>>) src(%dma_wait3A_48 : memref<10000x128xf32, #tpu.memory_space<hbm>>) dst(%arg10 : memref<80x128xf32, #tpu.memory_space<vmem>>)
      "tpu.region"() ({
        %run_scoped3A_54 = tpu.sem_alloc : memref<!tpu.dma_semaphore, #tpu.memory_space<semaphore_mem>>
        %dma_start3A_55 = arith.constant 0 : i32
        %dma_start3A_56 = tpu.memref_slice %arg8[%add3A_42, %dma_start3A_55] : memref<125x80xi32, #tpu.memory_space<vmem>> -> memref<1x80xi32, #tpu.memory_space<vmem>>
        %dma_start3A_57 = tpu.memref_squeeze %dma_start3A_56 : memref<1x80xi32, #tpu.memory_space<vmem>> -> memref<80xi32, #tpu.memory_space<vmem>>
        %dma_start3A_58 = arith.constant 0 : i32
        %dma_start3A_59 = arith.constant 0 : i32
        %dma_start3A_60 = tpu.memref_slice %arg11[%dma_start3A_58, %dma_start3A_59] : memref<10112x128xf32, #tpu.memory_space<vmem_shared>> -> memref<10112x128xf32, #tpu.memory_space<vmem_shared>>
        tpu.enqueue_indirect_dma source(%arg10 : memref<80x128xf32, #tpu.memory_space<vmem>>) target(%dma_start3A_60 : memref<10112x128xf32, #tpu.memory_space<vmem_shared>>) offsets(%dma_start3A_57 : memref<80xi32, #tpu.memory_space<vmem>>) semaphore(%run_scoped3A_54 : memref<!tpu.dma_semaphore, #tpu.memory_space<semaphore_mem>>) {add = true}
        %dma_wait3A_61 = arith.constant 0 : i32
        %dma_wait3A_62 = tpu.memref_slice %arg8[%add3A_42, %dma_wait3A_61] : memref<125x80xi32, #tpu.memory_space<vmem>> -> memref<1x80xi32, #tpu.memory_space<vmem>>
        %dma_wait3A_63 = tpu.memref_squeeze %dma_wait3A_62 : memref<1x80xi32, #tpu.memory_space<vmem>> -> memref<80xi32, #tpu.memory_space<vmem>>
        %dma_wait3A_64 = arith.constant 0 : i32
        %dma_wait3A_65 = arith.constant 0 : i32
        %dma_wait3A_66 = tpu.memref_slice %arg11[%dma_wait3A_64, %dma_wait3A_65] : memref<10112x128xf32, #tpu.memory_space<vmem_shared>> -> memref<10112x128xf32, #tpu.memory_space<vmem_shared>>
        tpu.wait_indirect_dma semaphore(%run_scoped3A_54 : memref<!tpu.dma_semaphore, #tpu.memory_space<semaphore_mem>>) src(%arg10 : memref<80x128xf32, #tpu.memory_space<vmem>>) dst(%dma_wait3A_66 : memref<10112x128xf32, #tpu.memory_space<vmem_shared>>)
        tpu.yield
      }) : () -> ()
      %lt3A_49 = arith.constant 123 : i32
      %lt3A_50 = arith.cmpi slt, %add3A_42, %lt3A_49 : i32
      %convert_element_type3A_51 = arith.extui %lt3A_50 : i1 to i32
      %cond3A_52 = arith.constant 0 : i32
      %cond3A_53 = arith.cmpi ne, %convert_element_type3A_51, %cond3A_52 : i32
      scf.if %cond3A_53 {
        %add3A_54 = arith.constant 2 : i32
        %add3A_55 = arith.addi %add3A_42, %add3A_54 : i32
        %mul3A_56 = arith.constant 80 : i32
        %mul3A_57 = arith.muli %add3A_55, %mul3A_56 : i32
        %dma_start3A_58 = tpu.memref_slice %arg7[%mul3A_57] : memref<10000xi32, #tpu.memory_space<vmem>> -> memref<80xi32, #tpu.memory_space<vmem>>
        %dma_start3A_59 = arith.constant 0 : i32
        %dma_start3A_60 = arith.constant 0 : i32
        %dma_start3A_61 = tpu.memref_slice %arg2[%dma_start3A_59, %dma_start3A_60] : memref<10000x128xf32, #tpu.memory_space<hbm>> -> memref<10000x128xf32, #tpu.memory_space<hbm>>
        tpu.enqueue_indirect_dma source(%dma_start3A_61 : memref<10000x128xf32, #tpu.memory_space<hbm>>) target(%arg10 : memref<80x128xf32, #tpu.memory_space<vmem>>) offsets(%dma_start3A_58 : memref<80xi32, #tpu.memory_space<vmem>>) semaphore(%arg13 : memref<!tpu.dma_semaphore, #tpu.memory_space<semaphore_mem>>)
      } else {
      }
    }
    %scan3A_16 = arith.constant 62 : i32
    %dma_wait3A = arith.constant 9920 : i32
    %dma_wait3A_17 = tpu.memref_slice %arg7[%dma_wait3A] : memref<10000xi32, #tpu.memory_space<vmem>> -> memref<80xi32, #tpu.memory_space<vmem>>
    %dma_wait3A_18 = arith.constant 0 : i32
    %dma_wait3A_19 = arith.constant 0 : i32
    %dma_wait3A_20 = tpu.memref_slice %arg2[%dma_wait3A_18, %dma_wait3A_19] : memref<10000x128xf32, #tpu.memory_space<hbm>> -> memref<10000x128xf32, #tpu.memory_space<hbm>>
    tpu.wait_indirect_dma semaphore(%arg12 : memref<!tpu.dma_semaphore, #tpu.memory_space<semaphore_mem>>) src(%dma_wait3A_20 : memref<10000x128xf32, #tpu.memory_space<hbm>>) dst(%arg9 : memref<80x128xf32, #tpu.memory_space<vmem>>)
    %run_scoped3A = arith.constant 124 : i32
    "tpu.region"() ({
      %run_scoped3A_26 = tpu.sem_alloc : memref<!tpu.dma_semaphore, #tpu.memory_space<semaphore_mem>>
      %dma_start3A_27 = arith.constant 0 : i32
      %dma_start3A_28 = tpu.memref_slice %arg8[%run_scoped3A, %dma_start3A_27] : memref<125x80xi32, #tpu.memory_space<vmem>> -> memref<1x80xi32, #tpu.memory_space<vmem>>
      %dma_start3A_29 = tpu.memref_squeeze %dma_start3A_28 : memref<1x80xi32, #tpu.memory_space<vmem>> -> memref<80xi32, #tpu.memory_space<vmem>>
      %dma_start3A_30 = arith.constant 0 : i32
      %dma_start3A_31 = arith.constant 0 : i32
      %dma_start3A_32 = tpu.memref_slice %arg11[%dma_start3A_30, %dma_start3A_31] : memref<10112x128xf32, #tpu.memory_space<vmem_shared>> -> memref<10112x128xf32, #tpu.memory_space<vmem_shared>>
      tpu.enqueue_indirect_dma source(%arg9 : memref<80x128xf32, #tpu.memory_space<vmem>>) target(%dma_start3A_32 : memref<10112x128xf32, #tpu.memory_space<vmem_shared>>) offsets(%dma_start3A_29 : memref<80xi32, #tpu.memory_space<vmem>>) semaphore(%run_scoped3A_26 : memref<!tpu.dma_semaphore, #tpu.memory_space<semaphore_mem>>) {add = true}
      %dma_wait3A_33 = arith.constant 0 : i32
      %dma_wait3A_34 = tpu.memref_slice %arg8[%run_scoped3A, %dma_wait3A_33] : memref<125x80xi32, #tpu.memory_space<vmem>> -> memref<1x80xi32, #tpu.memory_space<vmem>>
      %dma_wait3A_35 = tpu.memref_squeeze %dma_wait3A_34 : memref<1x80xi32, #tpu.memory_space<vmem>> -> memref<80xi32, #tpu.memory_space<vmem>>
      %dma_wait3A_36 = arith.constant 0 : i32
      %dma_wait3A_37 = arith.constant 0 : i32
      %dma_wait3A_38 = tpu.memref_slice %arg11[%dma_wait3A_36, %dma_wait3A_37] : memref<10112x128xf32, #tpu.memory_space<vmem_shared>> -> memref<10112x128xf32, #tpu.memory_space<vmem_shared>>
      tpu.wait_indirect_dma semaphore(%run_scoped3A_26 : memref<!tpu.dma_semaphore, #tpu.memory_space<semaphore_mem>>) src(%arg9 : memref<80x128xf32, #tpu.memory_space<vmem>>) dst(%dma_wait3A_38 : memref<10112x128xf32, #tpu.memory_space<vmem_shared>>)
      tpu.yield
    }) : () -> ()
    %barrier3A_21 = arith.constant 0 : index
    tpu.barrier barrier_id(%barrier3A_21)
    %mul3A_22 = arith.constant 632 : i32
    %mul3A_23 = arith.muli %arg1, %mul3A_22 : i32
    %mul3A_24 = arith.constant 632 : i32
    %mul3A_25 = arith.muli %arg1, %mul3A_24 : i32
    "tpu.region"() ({
      %run_scoped3A_26 = tpu.sem_alloc : memref<!tpu.dma_semaphore, #tpu.memory_space<semaphore_mem>>
      %dma_start3A_27 = arith.constant 0 : i32
      %dma_start3A_28 = tpu.memref_slice %arg6[%arg0, %mul3A_25, %dma_start3A_27] : memref<2x10112x128xf32, #tpu.memory_space<hbm>> -> memref<1x632x128xf32, #tpu.memory_space<hbm>>
      %dma_start3A_29 = tpu.memref_squeeze %dma_start3A_28 : memref<1x632x128xf32, #tpu.memory_space<hbm>> -> memref<632x128xf32, #tpu.memory_space<hbm>>
      %dma_start3A_30 = arith.constant 0 : i32
      %dma_start3A_31 = tpu.memref_slice %arg11[%mul3A_23, %dma_start3A_30] : memref<10112x128xf32, #tpu.memory_space<vmem_shared>> -> memref<632x128xf32, #tpu.memory_space<vmem_shared>>
      tpu.enqueue_dma source(%dma_start3A_31 : memref<632x128xf32, #tpu.memory_space<vmem_shared>>) target(%dma_start3A_29 : memref<632x128xf32, #tpu.memory_space<hbm>>) target_semaphore(%run_scoped3A_26 : memref<!tpu.dma_semaphore, #tpu.memory_space<semaphore_mem>>)
      %dma_wait3A_32 = arith.constant 0 : i32
      %dma_wait3A_33 = tpu.memref_slice %arg6[%arg0, %mul3A_25, %dma_wait3A_32] : memref<2x10112x128xf32, #tpu.memory_space<hbm>> -> memref<1x632x128xf32, #tpu.memory_space<hbm>>
      %dma_wait3A_34 = tpu.memref_squeeze %dma_wait3A_33 : memref<1x632x128xf32, #tpu.memory_space<hbm>> -> memref<632x128xf32, #tpu.memory_space<hbm>>
      %dma_wait3A_35 = arith.constant 0 : i32
      %dma_wait3A_36 = tpu.memref_slice %arg11[%mul3A_23, %dma_wait3A_35] : memref<10112x128xf32, #tpu.memory_space<vmem_shared>> -> memref<632x128xf32, #tpu.memory_space<vmem_shared>>
      tpu.wait_dma2 semaphore(%run_scoped3A_26 : memref<!tpu.dma_semaphore, #tpu.memory_space<semaphore_mem>>) src(%dma_wait3A_36 : memref<632x128xf32, #tpu.memory_space<vmem_shared>>) dst(%dma_wait3A_34 : memref<632x128xf32, #tpu.memory_space<hbm>>)
      tpu.yield
    }) : () -> ()
    return
  }
}

#map = affine_map<(d0, d1) -> (0, 0)>
#map1 = affine_map<(d0, d1) -> (0, 0, 0)>
module attributes {stable_mosaic.version = 14 : i64} {
  func.func @_accum_kernel(%arg0: i32, %arg1: i32, %arg2: memref<10000x128xf32, #tpu.memory_space<hbm>>, %arg3: memref<32x10000xi32, #tpu.memory_space<hbm>>, %arg4: memref<32x125x80xi32, #tpu.memory_space<hbm>>, %arg5: memref<632x128xf32, #tpu.memory_space<hbm>>, %arg6: memref<2x10112x128xf32, #tpu.memory_space<hbm>>, %arg7: memref<10000xi32, #tpu.memory_space<vmem>>, %arg8: memref<125x80xi32, #tpu.memory_space<vmem>>, %arg9: memref<80x128xf32, #tpu.memory_space<vmem>>, %arg10: memref<80x128xf32, #tpu.memory_space<vmem>>, %arg11: memref<10112x128xf32, #tpu.memory_space<vmem_shared>>, %arg12: memref<!tpu.dma_semaphore, #tpu.memory_space<semaphore_mem>>, %arg13: memref<!tpu.dma_semaphore, #tpu.memory_space<semaphore_mem>>) attributes {dimension_semantics = [#tpu.dimension_semantics<core_parallel>, #tpu.dimension_semantics<subcore_parallel>], iteration_bounds = array<i64: 2, 16>, scalar_prefetch = 0 : i64, scratch_operands = 7 : i64, tpu.core_type = #tpu.core_type<sc_vector_subcore>, window_params = [{transform_indices = #map}, {transform_indices = #map}, {transform_indices = #map1}, {transform_indices = #map}, {transform_indices = #map1}]} {
    %mul3A = arith.constant 16 : i32
    %mul3A_0 = arith.muli %arg0, %mul3A : i32
    %add3A = arith.addi %mul3A_0, %arg1 : i32
    "tpu.region"() ({
      %run_scoped3A_26 = tpu.sem_alloc : memref<!tpu.dma_semaphore, #tpu.memory_space<semaphore_mem>>
      %dma_start3A_27 = arith.constant 0 : i32
      %dma_start3A_28 = tpu.memref_slice %arg3[%add3A, %dma_start3A_27] : memref<32x10000xi32, #tpu.memory_space<hbm>> -> memref<1x10000xi32, #tpu.memory_space<hbm>>
      %dma_start3A_29 = tpu.memref_squeeze %dma_start3A_28 : memref<1x10000xi32, #tpu.memory_space<hbm>> -> memref<10000xi32, #tpu.memory_space<hbm>>
      %dma_start3A_30 = arith.constant 0 : i32
      %dma_start3A_31 = tpu.memref_slice %arg3[%add3A, %dma_start3A_30] : memref<32x10000xi32, #tpu.memory_space<hbm>> -> memref<1x10000xi32, #tpu.memory_space<hbm>>
      %dma_start3A_32 = tpu.memref_squeeze %dma_start3A_31 : memref<1x10000xi32, #tpu.memory_space<hbm>> -> memref<10000xi32, #tpu.memory_space<hbm>>
      tpu.enqueue_dma source(%dma_start3A_32 : memref<10000xi32, #tpu.memory_space<hbm>>) target(%arg7 : memref<10000xi32, #tpu.memory_space<vmem>>) target_semaphore(%run_scoped3A_26 : memref<!tpu.dma_semaphore, #tpu.memory_space<semaphore_mem>>)
      %dma_wait3A_33 = arith.constant 0 : i32
      %dma_wait3A_34 = tpu.memref_slice %arg3[%add3A, %dma_wait3A_33] : memref<32x10000xi32, #tpu.memory_space<hbm>> -> memref<1x10000xi32, #tpu.memory_space<hbm>>
      %dma_wait3A_35 = tpu.memref_squeeze %dma_wait3A_34 : memref<1x10000xi32, #tpu.memory_space<hbm>> -> memref<10000xi32, #tpu.memory_space<hbm>>
      %dma_wait3A_36 = arith.constant 0 : i32
      %dma_wait3A_37 = tpu.memref_slice %arg3[%add3A, %dma_wait3A_36] : memref<32x10000xi32, #tpu.memory_space<hbm>> -> memref<1x10000xi32, #tpu.memory_space<hbm>>
      %dma_wait3A_38 = tpu.memref_squeeze %dma_wait3A_37 : memref<1x10000xi32, #tpu.memory_space<hbm>> -> memref<10000xi32, #tpu.memory_space<hbm>>
      tpu.wait_dma2 semaphore(%run_scoped3A_26 : memref<!tpu.dma_semaphore, #tpu.memory_space<semaphore_mem>>) src(%dma_wait3A_38 : memref<10000xi32, #tpu.memory_space<hbm>>) dst(%arg7 : memref<10000xi32, #tpu.memory_space<vmem>>)
      tpu.yield
    }) : () -> ()
    "tpu.region"() ({
      %run_scoped3A_26 = tpu.sem_alloc : memref<!tpu.dma_semaphore, #tpu.memory_space<semaphore_mem>>
      %dma_start3A_27 = arith.constant 0 : i32
      %dma_start3A_28 = arith.constant 0 : i32
      %dma_start3A_29 = tpu.memref_slice %arg4[%add3A, %dma_start3A_27, %dma_start3A_28] : memref<32x125x80xi32, #tpu.memory_space<hbm>> -> memref<1x125x80xi32, #tpu.memory_space<hbm>>
      %dma_start3A_30 = tpu.memref_squeeze %dma_start3A_29 : memref<1x125x80xi32, #tpu.memory_space<hbm>> -> memref<125x80xi32, #tpu.memory_space<hbm>>
      %dma_start3A_31 = arith.constant 0 : i32
      %dma_start3A_32 = arith.constant 0 : i32
      %dma_start3A_33 = tpu.memref_slice %arg4[%add3A, %dma_start3A_31, %dma_start3A_32] : memref<32x125x80xi32, #tpu.memory_space<hbm>> -> memref<1x125x80xi32, #tpu.memory_space<hbm>>
      %dma_start3A_34 = tpu.memref_squeeze %dma_start3A_33 : memref<1x125x80xi32, #tpu.memory_space<hbm>> -> memref<125x80xi32, #tpu.memory_space<hbm>>
      tpu.enqueue_dma source(%dma_start3A_34 : memref<125x80xi32, #tpu.memory_space<hbm>>) target(%arg8 : memref<125x80xi32, #tpu.memory_space<vmem>>) target_semaphore(%run_scoped3A_26 : memref<!tpu.dma_semaphore, #tpu.memory_space<semaphore_mem>>)
      %dma_wait3A_35 = arith.constant 0 : i32
      %dma_wait3A_36 = arith.constant 0 : i32
      %dma_wait3A_37 = tpu.memref_slice %arg4[%add3A, %dma_wait3A_35, %dma_wait3A_36] : memref<32x125x80xi32, #tpu.memory_space<hbm>> -> memref<1x125x80xi32, #tpu.memory_space<hbm>>
      %dma_wait3A_38 = tpu.memref_squeeze %dma_wait3A_37 : memref<1x125x80xi32, #tpu.memory_space<hbm>> -> memref<125x80xi32, #tpu.memory_space<hbm>>
      %dma_wait3A_39 = arith.constant 0 : i32
      %dma_wait3A_40 = arith.constant 0 : i32
      %dma_wait3A_41 = tpu.memref_slice %arg4[%add3A, %dma_wait3A_39, %dma_wait3A_40] : memref<32x125x80xi32, #tpu.memory_space<hbm>> -> memref<1x125x80xi32, #tpu.memory_space<hbm>>
      %dma_wait3A_42 = tpu.memref_squeeze %dma_wait3A_41 : memref<1x125x80xi32, #tpu.memory_space<hbm>> -> memref<125x80xi32, #tpu.memory_space<hbm>>
      tpu.wait_dma2 semaphore(%run_scoped3A_26 : memref<!tpu.dma_semaphore, #tpu.memory_space<semaphore_mem>>) src(%dma_wait3A_42 : memref<125x80xi32, #tpu.memory_space<hbm>>) dst(%arg8 : memref<125x80xi32, #tpu.memory_space<vmem>>)
      tpu.yield
    }) : () -> ()
    %mul3A_1 = arith.constant 632 : i32
    %mul3A_2 = arith.muli %arg1, %mul3A_1 : i32
    "tpu.region"() ({
      %run_scoped3A_26 = tpu.sem_alloc : memref<!tpu.dma_semaphore, #tpu.memory_space<semaphore_mem>>
      %dma_start3A_27 = arith.constant 0 : i32
      %dma_start3A_28 = tpu.memref_slice %arg11[%mul3A_2, %dma_start3A_27] : memref<10112x128xf32, #tpu.memory_space<vmem_shared>> -> memref<632x128xf32, #tpu.memory_space<vmem_shared>>
      tpu.enqueue_dma source(%arg5 : memref<632x128xf32, #tpu.memory_space<hbm>>) target(%dma_start3A_28 : memref<632x128xf32, #tpu.memory_space<vmem_shared>>) target_semaphore(%run_scoped3A_26 : memref<!tpu.dma_semaphore, #tpu.memory_space<semaphore_mem>>)
      %dma_wait3A_29 = arith.constant 0 : i32
      %dma_wait3A_30 = tpu.memref_slice %arg11[%mul3A_2, %dma_wait3A_29] : memref<10112x128xf32, #tpu.memory_space<vmem_shared>> -> memref<632x128xf32, #tpu.memory_space<vmem_shared>>
      tpu.wait_dma2 semaphore(%run_scoped3A_26 : memref<!tpu.dma_semaphore, #tpu.memory_space<semaphore_mem>>) src(%arg5 : memref<632x128xf32, #tpu.memory_space<hbm>>) dst(%dma_wait3A_30 : memref<632x128xf32, #tpu.memory_space<vmem_shared>>)
      tpu.yield
    }) : () -> ()
    %barrier3A = arith.constant 0 : index
    tpu.barrier barrier_id(%barrier3A)
    %dma_start3A = arith.constant 0 : i32
    %dma_start3A_3 = tpu.memref_slice %arg7[%dma_start3A] : memref<10000xi32, #tpu.memory_space<vmem>> -> memref<80xi32, #tpu.memory_space<vmem>>
    %dma_start3A_4 = arith.constant 0 : i32
    %dma_start3A_5 = arith.constant 0 : i32
    %dma_start3A_6 = tpu.memref_slice %arg2[%dma_start3A_4, %dma_start3A_5] : memref<10000x128xf32, #tpu.memory_space<hbm>> -> memref<10000x128xf32, #tpu.memory_space<hbm>>
    tpu.enqueue_indirect_dma source(%dma_start3A_6 : memref<10000x128xf32, #tpu.memory_space<hbm>>) target(%arg9 : memref<80x128xf32, #tpu.memory_space<vmem>>) offsets(%dma_start3A_3 : memref<80xi32, #tpu.memory_space<vmem>>) semaphore(%arg12 : memref<!tpu.dma_semaphore, #tpu.memory_space<semaphore_mem>>)
    %dma_start3A_7 = arith.constant 80 : i32
    %dma_start3A_8 = tpu.memref_slice %arg7[%dma_start3A_7] : memref<10000xi32, #tpu.memory_space<vmem>> -> memref<80xi32, #tpu.memory_space<vmem>>
    %dma_start3A_9 = arith.constant 0 : i32
    %dma_start3A_10 = arith.constant 0 : i32
    %dma_start3A_11 = tpu.memref_slice %arg2[%dma_start3A_9, %dma_start3A_10] : memref<10000x128xf32, #tpu.memory_space<hbm>> -> memref<10000x128xf32, #tpu.memory_space<hbm>>
    tpu.enqueue_indirect_dma source(%dma_start3A_11 : memref<10000x128xf32, #tpu.memory_space<hbm>>) target(%arg10 : memref<80x128xf32, #tpu.memory_space<vmem>>) offsets(%dma_start3A_8 : memref<80xi32, #tpu.memory_space<vmem>>) semaphore(%arg13 : memref<!tpu.dma_semaphore, #tpu.memory_space<semaphore_mem>>)
    %scan3A = arith.constant 0 : i32
    %scan3A_12 = arith.constant 0 : i32
    %scan3A_13 = arith.constant 62 : i32
    %scan3A_14 = arith.addi %scan3A_12, %scan3A_13 : i32
    %scan3A_15 = arith.constant 1 : i32
    scf.for %scan3A_26 = %scan3A_12 to %scan3A_14 step %scan3A_15  : i32 {
      %mul3A_27 = arith.constant 2 : i32
      %mul3A_28 = arith.muli %mul3A_27, %scan3A_26 : i32
      %add3A_29 = arith.constant 0 : i32
      %add3A_30 = arith.addi %mul3A_28, %add3A_29 : i32
      %mul3A_31 = arith.constant 80 : i32
      %mul3A_32 = arith.muli %add3A_30, %mul3A_31 : i32
      %dma_wait3A_33 = tpu.memref_slice %arg7[%mul3A_32] : memref<10000xi32, #tpu.memory_space<vmem>> -> memref<80xi32, #tpu.memory_space<vmem>>
      %dma_wait3A_34 = arith.constant 0 : i32
      %dma_wait3A_35 = arith.constant 0 : i32
      %dma_wait3A_36 = tpu.memref_slice %arg2[%dma_wait3A_34, %dma_wait3A_35] : memref<10000x128xf32, #tpu.memory_space<hbm>> -> memref<10000x128xf32, #tpu.memory_space<hbm>>
      tpu.wait_indirect_dma semaphore(%arg12 : memref<!tpu.dma_semaphore, #tpu.memory_space<semaphore_mem>>) src(%dma_wait3A_36 : memref<10000x128xf32, #tpu.memory_space<hbm>>) dst(%arg9 : memref<80x128xf32, #tpu.memory_space<vmem>>)
      "tpu.region"() ({
        %run_scoped3A_54 = tpu.sem_alloc : memref<!tpu.dma_semaphore, #tpu.memory_space<semaphore_mem>>
        %dma_start3A_55 = arith.constant 0 : i32
        %dma_start3A_56 = tpu.memref_slice %arg8[%add3A_30, %dma_start3A_55] : memref<125x80xi32, #tpu.memory_space<vmem>> -> memref<1x80xi32, #tpu.memory_space<vmem>>
        %dma_start3A_57 = tpu.memref_squeeze %dma_start3A_56 : memref<1x80xi32, #tpu.memory_space<vmem>> -> memref<80xi32, #tpu.memory_space<vmem>>
        %dma_start3A_58 = arith.constant 0 : i32
        %dma_start3A_59 = arith.constant 0 : i32
        %dma_start3A_60 = tpu.memref_slice %arg11[%dma_start3A_58, %dma_start3A_59] : memref<10112x128xf32, #tpu.memory_space<vmem_shared>> -> memref<10112x128xf32, #tpu.memory_space<vmem_shared>>
        tpu.enqueue_indirect_dma source(%arg9 : memref<80x128xf32, #tpu.memory_space<vmem>>) target(%dma_start3A_60 : memref<10112x128xf32, #tpu.memory_space<vmem_shared>>) offsets(%dma_start3A_57 : memref<80xi32, #tpu.memory_space<vmem>>) semaphore(%run_scoped3A_54 : memref<!tpu.dma_semaphore, #tpu.memory_space<semaphore_mem>>) {add = true}
        %dma_wait3A_61 = arith.constant 0 : i32
        %dma_wait3A_62 = tpu.memref_slice %arg8[%add3A_30, %dma_wait3A_61] : memref<125x80xi32, #tpu.memory_space<vmem>> -> memref<1x80xi32, #tpu.memory_space<vmem>>
        %dma_wait3A_63 = tpu.memref_squeeze %dma_wait3A_62 : memref<1x80xi32, #tpu.memory_space<vmem>> -> memref<80xi32, #tpu.memory_space<vmem>>
        %dma_wait3A_64 = arith.constant 0 : i32
        %dma_wait3A_65 = arith.constant 0 : i32
        %dma_wait3A_66 = tpu.memref_slice %arg11[%dma_wait3A_64, %dma_wait3A_65] : memref<10112x128xf32, #tpu.memory_space<vmem_shared>> -> memref<10112x128xf32, #tpu.memory_space<vmem_shared>>
        tpu.wait_indirect_dma semaphore(%run_scoped3A_54 : memref<!tpu.dma_semaphore, #tpu.memory_space<semaphore_mem>>) src(%arg9 : memref<80x128xf32, #tpu.memory_space<vmem>>) dst(%dma_wait3A_66 : memref<10112x128xf32, #tpu.memory_space<vmem_shared>>)
        tpu.yield
      }) : () -> ()
      %lt3A = arith.constant 123 : i32
      %lt3A_37 = arith.cmpi slt, %add3A_30, %lt3A : i32
      %convert_element_type3A = arith.extui %lt3A_37 : i1 to i32
      %cond3A = arith.constant 0 : i32
      %cond3A_38 = arith.cmpi ne, %convert_element_type3A, %cond3A : i32
      scf.if %cond3A_38 {
        %add3A_54 = arith.constant 2 : i32
        %add3A_55 = arith.addi %add3A_30, %add3A_54 : i32
        %mul3A_56 = arith.constant 80 : i32
        %mul3A_57 = arith.muli %add3A_55, %mul3A_56 : i32
        %dma_start3A_58 = tpu.memref_slice %arg7[%mul3A_57] : memref<10000xi32, #tpu.memory_space<vmem>> -> memref<80xi32, #tpu.memory_space<vmem>>
        %dma_start3A_59 = arith.constant 0 : i32
        %dma_start3A_60 = arith.constant 0 : i32
        %dma_start3A_61 = tpu.memref_slice %arg2[%dma_start3A_59, %dma_start3A_60] : memref<10000x128xf32, #tpu.memory_space<hbm>> -> memref<10000x128xf32, #tpu.memory_space<hbm>>
        tpu.enqueue_indirect_dma source(%dma_start3A_61 : memref<10000x128xf32, #tpu.memory_space<hbm>>) target(%arg9 : memref<80x128xf32, #tpu.memory_space<vmem>>) offsets(%dma_start3A_58 : memref<80xi32, #tpu.memory_space<vmem>>) semaphore(%arg12 : memref<!tpu.dma_semaphore, #tpu.memory_space<semaphore_mem>>)
      } else {
      }
      %mul3A_39 = arith.constant 2 : i32
      %mul3A_40 = arith.muli %mul3A_39, %scan3A_26 : i32
      %add3A_41 = arith.constant 1 : i32
      %add3A_42 = arith.addi %mul3A_40, %add3A_41 : i32
      %mul3A_43 = arith.constant 80 : i32
      %mul3A_44 = arith.muli %add3A_42, %mul3A_43 : i32
      %dma_wait3A_45 = tpu.memref_slice %arg7[%mul3A_44] : memref<10000xi32, #tpu.memory_space<vmem>> -> memref<80xi32, #tpu.memory_space<vmem>>
      %dma_wait3A_46 = arith.constant 0 : i32
      %dma_wait3A_47 = arith.constant 0 : i32
      %dma_wait3A_48 = tpu.memref_slice %arg2[%dma_wait3A_46, %dma_wait3A_47] : memref<10000x128xf32, #tpu.memory_space<hbm>> -> memref<10000x128xf32, #tpu.memory_space<hbm>>
      tpu.wait_indirect_dma semaphore(%arg13 : memref<!tpu.dma_semaphore, #tpu.memory_space<semaphore_mem>>) src(%dma_wait3A_48 : memref<10000x128xf32, #tpu.memory_space<hbm>>) dst(%arg10 : memref<80x128xf32, #tpu.memory_space<vmem>>)
      "tpu.region"() ({
        %run_scoped3A_54 = tpu.sem_alloc : memref<!tpu.dma_semaphore, #tpu.memory_space<semaphore_mem>>
        %dma_start3A_55 = arith.constant 0 : i32
        %dma_start3A_56 = tpu.memref_slice %arg8[%add3A_42, %dma_start3A_55] : memref<125x80xi32, #tpu.memory_space<vmem>> -> memref<1x80xi32, #tpu.memory_space<vmem>>
        %dma_start3A_57 = tpu.memref_squeeze %dma_start3A_56 : memref<1x80xi32, #tpu.memory_space<vmem>> -> memref<80xi32, #tpu.memory_space<vmem>>
        %dma_start3A_58 = arith.constant 0 : i32
        %dma_start3A_59 = arith.constant 0 : i32
        %dma_start3A_60 = tpu.memref_slice %arg11[%dma_start3A_58, %dma_start3A_59] : memref<10112x128xf32, #tpu.memory_space<vmem_shared>> -> memref<10112x128xf32, #tpu.memory_space<vmem_shared>>
        tpu.enqueue_indirect_dma source(%arg10 : memref<80x128xf32, #tpu.memory_space<vmem>>) target(%dma_start3A_60 : memref<10112x128xf32, #tpu.memory_space<vmem_shared>>) offsets(%dma_start3A_57 : memref<80xi32, #tpu.memory_space<vmem>>) semaphore(%run_scoped3A_54 : memref<!tpu.dma_semaphore, #tpu.memory_space<semaphore_mem>>) {add = true}
        %dma_wait3A_61 = arith.constant 0 : i32
        %dma_wait3A_62 = tpu.memref_slice %arg8[%add3A_42, %dma_wait3A_61] : memref<125x80xi32, #tpu.memory_space<vmem>> -> memref<1x80xi32, #tpu.memory_space<vmem>>
        %dma_wait3A_63 = tpu.memref_squeeze %dma_wait3A_62 : memref<1x80xi32, #tpu.memory_space<vmem>> -> memref<80xi32, #tpu.memory_space<vmem>>
        %dma_wait3A_64 = arith.constant 0 : i32
        %dma_wait3A_65 = arith.constant 0 : i32
        %dma_wait3A_66 = tpu.memref_slice %arg11[%dma_wait3A_64, %dma_wait3A_65] : memref<10112x128xf32, #tpu.memory_space<vmem_shared>> -> memref<10112x128xf32, #tpu.memory_space<vmem_shared>>
        tpu.wait_indirect_dma semaphore(%run_scoped3A_54 : memref<!tpu.dma_semaphore, #tpu.memory_space<semaphore_mem>>) src(%arg10 : memref<80x128xf32, #tpu.memory_space<vmem>>) dst(%dma_wait3A_66 : memref<10112x128xf32, #tpu.memory_space<vmem_shared>>)
        tpu.yield
      }) : () -> ()
      %lt3A_49 = arith.constant 123 : i32
      %lt3A_50 = arith.cmpi slt, %add3A_42, %lt3A_49 : i32
      %convert_element_type3A_51 = arith.extui %lt3A_50 : i1 to i32
      %cond3A_52 = arith.constant 0 : i32
      %cond3A_53 = arith.cmpi ne, %convert_element_type3A_51, %cond3A_52 : i32
      scf.if %cond3A_53 {
        %add3A_54 = arith.constant 2 : i32
        %add3A_55 = arith.addi %add3A_42, %add3A_54 : i32
        %mul3A_56 = arith.constant 80 : i32
        %mul3A_57 = arith.muli %add3A_55, %mul3A_56 : i32
        %dma_start3A_58 = tpu.memref_slice %arg7[%mul3A_57] : memref<10000xi32, #tpu.memory_space<vmem>> -> memref<80xi32, #tpu.memory_space<vmem>>
        %dma_start3A_59 = arith.constant 0 : i32
        %dma_start3A_60 = arith.constant 0 : i32
        %dma_start3A_61 = tpu.memref_slice %arg2[%dma_start3A_59, %dma_start3A_60] : memref<10000x128xf32, #tpu.memory_space<hbm>> -> memref<10000x128xf32, #tpu.memory_space<hbm>>
        tpu.enqueue_indirect_dma source(%dma_start3A_61 : memref<10000x128xf32, #tpu.memory_space<hbm>>) target(%arg10 : memref<80x128xf32, #tpu.memory_space<vmem>>) offsets(%dma_start3A_58 : memref<80xi32, #tpu.memory_space<vmem>>) semaphore(%arg13 : memref<!tpu.dma_semaphore, #tpu.memory_space<semaphore_mem>>)
      } else {
      }
    }
    %scan3A_16 = arith.constant 62 : i32
    %dma_wait3A = arith.constant 9920 : i32
    %dma_wait3A_17 = tpu.memref_slice %arg7[%dma_wait3A] : memref<10000xi32, #tpu.memory_space<vmem>> -> memref<80xi32, #tpu.memory_space<vmem>>
    %dma_wait3A_18 = arith.constant 0 : i32
    %dma_wait3A_19 = arith.constant 0 : i32
    %dma_wait3A_20 = tpu.memref_slice %arg2[%dma_wait3A_18, %dma_wait3A_19] : memref<10000x128xf32, #tpu.memory_space<hbm>> -> memref<10000x128xf32, #tpu.memory_space<hbm>>
    tpu.wait_indirect_dma semaphore(%arg12 : memref<!tpu.dma_semaphore, #tpu.memory_space<semaphore_mem>>) src(%dma_wait3A_20 : memref<10000x128xf32, #tpu.memory_space<hbm>>) dst(%arg9 : memref<80x128xf32, #tpu.memory_space<vmem>>)
    %run_scoped3A = arith.constant 124 : i32
    "tpu.region"() ({
      %run_scoped3A_26 = tpu.sem_alloc : memref<!tpu.dma_semaphore, #tpu.memory_space<semaphore_mem>>
      %dma_start3A_27 = arith.constant 0 : i32
      %dma_start3A_28 = tpu.memref_slice %arg8[%run_scoped3A, %dma_start3A_27] : memref<125x80xi32, #tpu.memory_space<vmem>> -> memref<1x80xi32, #tpu.memory_space<vmem>>
      %dma_start3A_29 = tpu.memref_squeeze %dma_start3A_28 : memref<1x80xi32, #tpu.memory_space<vmem>> -> memref<80xi32, #tpu.memory_space<vmem>>
      %dma_start3A_30 = arith.constant 0 : i32
      %dma_start3A_31 = arith.constant 0 : i32
      %dma_start3A_32 = tpu.memref_slice %arg11[%dma_start3A_30, %dma_start3A_31] : memref<10112x128xf32, #tpu.memory_space<vmem_shared>> -> memref<10112x128xf32, #tpu.memory_space<vmem_shared>>
      tpu.enqueue_indirect_dma source(%arg9 : memref<80x128xf32, #tpu.memory_space<vmem>>) target(%dma_start3A_32 : memref<10112x128xf32, #tpu.memory_space<vmem_shared>>) offsets(%dma_start3A_29 : memref<80xi32, #tpu.memory_space<vmem>>) semaphore(%run_scoped3A_26 : memref<!tpu.dma_semaphore, #tpu.memory_space<semaphore_mem>>) {add = true}
      %dma_wait3A_33 = arith.constant 0 : i32
      %dma_wait3A_34 = tpu.memref_slice %arg8[%run_scoped3A, %dma_wait3A_33] : memref<125x80xi32, #tpu.memory_space<vmem>> -> memref<1x80xi32, #tpu.memory_space<vmem>>
      %dma_wait3A_35 = tpu.memref_squeeze %dma_wait3A_34 : memref<1x80xi32, #tpu.memory_space<vmem>> -> memref<80xi32, #tpu.memory_space<vmem>>
      %dma_wait3A_36 = arith.constant 0 : i32
      %dma_wait3A_37 = arith.constant 0 : i32
      %dma_wait3A_38 = tpu.memref_slice %arg11[%dma_wait3A_36, %dma_wait3A_37] : memref<10112x128xf32, #tpu.memory_space<vmem_shared>> -> memref<10112x128xf32, #tpu.memory_space<vmem_shared>>
      tpu.wait_indirect_dma semaphore(%run_scoped3A_26 : memref<!tpu.dma_semaphore, #tpu.memory_space<semaphore_mem>>) src(%arg9 : memref<80x128xf32, #tpu.memory_space<vmem>>) dst(%dma_wait3A_38 : memref<10112x128xf32, #tpu.memory_space<vmem_shared>>)
      tpu.yield
    }) : () -> ()
    %barrier3A_21 = arith.constant 0 : index
    tpu.barrier barrier_id(%barrier3A_21)
    %mul3A_22 = arith.constant 632 : i32
    %mul3A_23 = arith.muli %arg1, %mul3A_22 : i32
    %mul3A_24 = arith.constant 632 : i32
    %mul3A_25 = arith.muli %arg1, %mul3A_24 : i32
    "tpu.region"() ({
      %run_scoped3A_26 = tpu.sem_alloc : memref<!tpu.dma_semaphore, #tpu.memory_space<semaphore_mem>>
      %dma_start3A_27 = arith.constant 0 : i32
      %dma_start3A_28 = tpu.memref_slice %arg6[%arg0, %mul3A_25, %dma_start3A_27] : memref<2x10112x128xf32, #tpu.memory_space<hbm>> -> memref<1x632x128xf32, #tpu.memory_space<hbm>>
      %dma_start3A_29 = tpu.memref_squeeze %dma_start3A_28 : memref<1x632x128xf32, #tpu.memory_space<hbm>> -> memref<632x128xf32, #tpu.memory_space<hbm>>
      %dma_start3A_30 = arith.constant 0 : i32
      %dma_start3A_31 = tpu.memref_slice %arg11[%mul3A_23, %dma_start3A_30] : memref<10112x128xf32, #tpu.memory_space<vmem_shared>> -> memref<632x128xf32, #tpu.memory_space<vmem_shared>>
      tpu.enqueue_dma source(%dma_start3A_31 : memref<632x128xf32, #tpu.memory_space<vmem_shared>>) target(%dma_start3A_29 : memref<632x128xf32, #tpu.memory_space<hbm>>) target_semaphore(%run_scoped3A_26 : memref<!tpu.dma_semaphore, #tpu.memory_space<semaphore_mem>>)
      %dma_wait3A_32 = arith.constant 0 : i32
      %dma_wait3A_33 = tpu.memref_slice %arg6[%arg0, %mul3A_25, %dma_wait3A_32] : memref<2x10112x128xf32, #tpu.memory_space<hbm>> -> memref<1x632x128xf32, #tpu.memory_space<hbm>>
      %dma_wait3A_34 = tpu.memref_squeeze %dma_wait3A_33 : memref<1x632x128xf32, #tpu.memory_space<hbm>> -> memref<632x128xf32, #tpu.memory_space<hbm>>
      %dma_wait3A_35 = arith.constant 0 : i32
      %dma_wait3A_36 = tpu.memref_slice %arg11[%mul3A_23, %dma_wait3A_35] : memref<10112x128xf32, #tpu.memory_space<vmem_shared>> -> memref<632x128xf32, #tpu.memory_space<vmem_shared>>
      tpu.wait_dma2 semaphore(%run_scoped3A_26 : memref<!tpu.dma_semaphore, #tpu.memory_space<semaphore_mem>>) src(%dma_wait3A_36 : memref<632x128xf32, #tpu.memory_space<vmem_shared>>) dst(%dma_wait3A_34 : memref<632x128xf32, #tpu.memory_space<hbm>>)
      tpu.yield
    }) : () -> ()
    return
  }
}

#map = affine_map<(d0, d1) -> (0, 0)>
module attributes {stable_mosaic.version = 14 : i64} {
  func.func @_deg_kernel(%arg0: i32, %arg1: i32, %arg2: memref<32x10000xi32, #tpu.memory_space<hbm>>, %arg3: memref<32x10112xf32, #tpu.memory_space<hbm>>, %arg4: memref<10000xi32, #tpu.memory_space<vmem>>, %arg5: memref<10112xf32, #tpu.memory_space<vmem>>) attributes {dimension_semantics = [#tpu.dimension_semantics<core_parallel>, #tpu.dimension_semantics<subcore_parallel>], iteration_bounds = array<i64: 2, 16>, scalar_prefetch = 0 : i64, scratch_operands = 2 : i64, tpu.core_type = #tpu.core_type<sc_vector_subcore>, window_params = [{transform_indices = #map}, {transform_indices = #map}]} {
    %mul3A = arith.constant 16 : i32
    %mul3A_0 = arith.muli %arg0, %mul3A : i32
    %add3A = arith.addi %mul3A_0, %arg1 : i32
    "tpu.region"() ({
      %run_scoped3A = tpu.sem_alloc : memref<!tpu.dma_semaphore, #tpu.memory_space<semaphore_mem>>
      %dma_start3A = arith.constant 0 : i32
      %dma_start3A_12 = tpu.memref_slice %arg2[%add3A, %dma_start3A] : memref<32x10000xi32, #tpu.memory_space<hbm>> -> memref<1x10000xi32, #tpu.memory_space<hbm>>
      %dma_start3A_13 = tpu.memref_squeeze %dma_start3A_12 : memref<1x10000xi32, #tpu.memory_space<hbm>> -> memref<10000xi32, #tpu.memory_space<hbm>>
      %dma_start3A_14 = arith.constant 0 : i32
      %dma_start3A_15 = tpu.memref_slice %arg2[%add3A, %dma_start3A_14] : memref<32x10000xi32, #tpu.memory_space<hbm>> -> memref<1x10000xi32, #tpu.memory_space<hbm>>
      %dma_start3A_16 = tpu.memref_squeeze %dma_start3A_15 : memref<1x10000xi32, #tpu.memory_space<hbm>> -> memref<10000xi32, #tpu.memory_space<hbm>>
      tpu.enqueue_dma source(%dma_start3A_16 : memref<10000xi32, #tpu.memory_space<hbm>>) target(%arg4 : memref<10000xi32, #tpu.memory_space<vmem>>) target_semaphore(%run_scoped3A : memref<!tpu.dma_semaphore, #tpu.memory_space<semaphore_mem>>)
      %dma_wait3A = arith.constant 0 : i32
      %dma_wait3A_17 = tpu.memref_slice %arg2[%add3A, %dma_wait3A] : memref<32x10000xi32, #tpu.memory_space<hbm>> -> memref<1x10000xi32, #tpu.memory_space<hbm>>
      %dma_wait3A_18 = tpu.memref_squeeze %dma_wait3A_17 : memref<1x10000xi32, #tpu.memory_space<hbm>> -> memref<10000xi32, #tpu.memory_space<hbm>>
      %dma_wait3A_19 = arith.constant 0 : i32
      %dma_wait3A_20 = tpu.memref_slice %arg2[%add3A, %dma_wait3A_19] : memref<32x10000xi32, #tpu.memory_space<hbm>> -> memref<1x10000xi32, #tpu.memory_space<hbm>>
      %dma_wait3A_21 = tpu.memref_squeeze %dma_wait3A_20 : memref<1x10000xi32, #tpu.memory_space<hbm>> -> memref<10000xi32, #tpu.memory_space<hbm>>
      tpu.wait_dma2 semaphore(%run_scoped3A : memref<!tpu.dma_semaphore, #tpu.memory_space<semaphore_mem>>) src(%dma_wait3A_21 : memref<10000xi32, #tpu.memory_space<hbm>>) dst(%arg4 : memref<10000xi32, #tpu.memory_space<vmem>>)
      tpu.yield
    }) : () -> ()
    %scan3A = arith.constant 0 : i32
    %scan3A_1 = arith.constant 0 : i32
    %scan3A_2 = arith.constant 632 : i32
    %scan3A_3 = arith.addi %scan3A_1, %scan3A_2 : i32
    %scan3A_4 = arith.constant 1 : i32
    scf.for %scan3A_12 = %scan3A_1 to %scan3A_3 step %scan3A_4  : i32 {
      %broadcast_in_dim3A = arith.constant 0.000000e+00 : f32
      %broadcast_in_dim3A_13 = vector.broadcast %broadcast_in_dim3A : f32 to vector<16xf32>
      %mul3A_14 = arith.constant 16 : i32
      %mul3A_15 = arith.muli %scan3A_12, %mul3A_14 : i32
      %swap3A = arith.index_cast %mul3A_15 : i32 to index
      %swap3A_16 = tpu.vector_load %arg5[%swap3A] {strides = array<i32>} : memref<10112xf32, #tpu.memory_space<vmem>>, vector<16xf32>,
      tpu.vector_store %arg5[%swap3A], %broadcast_in_dim3A_13 {strides = array<i32>} : memref<10112xf32, #tpu.memory_space<vmem>>, vector<16xf32>,
    }
    %scan3A_5 = arith.constant 632 : i32
    %scan3A_6 = arith.constant 0 : i32
    %scan3A_7 = arith.constant 0 : i32
    %scan3A_8 = arith.constant 625 : i32
    %scan3A_9 = arith.addi %scan3A_7, %scan3A_8 : i32
    %scan3A_10 = arith.constant 1 : i32
    scf.for %scan3A_12 = %scan3A_7 to %scan3A_9 step %scan3A_10  : i32 {
      %mul3A_13 = arith.constant 16 : i32
      %mul3A_14 = arith.muli %scan3A_12, %mul3A_13 : i32
      %get3A = arith.index_cast %mul3A_14 : i32 to index
      %get3A_15 = tpu.vector_load %arg4[%get3A] {strides = array<i32>} : memref<10000xi32, #tpu.memory_space<vmem>>, vector<16xi32>,
      %broadcast_in_dim3A = arith.constant 1.000000e+00 : f32
      %broadcast_in_dim3A_16 = vector.broadcast %broadcast_in_dim3A : f32 to vector<16xf32>
      tpu.vector_store_idx %arg5[%get3A_15], %broadcast_in_dim3A_16 {add = true} : memref<10112xf32, #tpu.memory_space<vmem>>[vector<16xi32>], vector<16xf32>,
    }
    %scan3A_11 = arith.constant 625 : i32
    "tpu.region"() ({
      %run_scoped3A = tpu.sem_alloc : memref<!tpu.dma_semaphore, #tpu.memory_space<semaphore_mem>>
      %dma_start3A = arith.constant 0 : i32
      %dma_start3A_12 = tpu.memref_slice %arg3[%add3A, %dma_start3A] : memref<32x10112xf32, #tpu.memory_space<hbm>> -> memref<1x10112xf32, #tpu.memory_space<hbm>>
      %dma_start3A_13 = tpu.memref_squeeze %dma_start3A_12 : memref<1x10112xf32, #tpu.memory_space<hbm>> -> memref<10112xf32, #tpu.memory_space<hbm>>
      %dma_start3A_14 = arith.constant 0 : i32
      %dma_start3A_15 = tpu.memref_slice %arg3[%add3A, %dma_start3A_14] : memref<32x10112xf32, #tpu.memory_space<hbm>> -> memref<1x10112xf32, #tpu.memory_space<hbm>>
      %dma_start3A_16 = tpu.memref_squeeze %dma_start3A_15 : memref<1x10112xf32, #tpu.memory_space<hbm>> -> memref<10112xf32, #tpu.memory_space<hbm>>
      tpu.enqueue_dma source(%arg5 : memref<10112xf32, #tpu.memory_space<vmem>>) target(%dma_start3A_16 : memref<10112xf32, #tpu.memory_space<hbm>>) target_semaphore(%run_scoped3A : memref<!tpu.dma_semaphore, #tpu.memory_space<semaphore_mem>>)
      %dma_wait3A = arith.constant 0 : i32
      %dma_wait3A_17 = tpu.memref_slice %arg3[%add3A, %dma_wait3A] : memref<32x10112xf32, #tpu.memory_space<hbm>> -> memref<1x10112xf32, #tpu.memory_space<hbm>>
      %dma_wait3A_18 = tpu.memref_squeeze %dma_wait3A_17 : memref<1x10112xf32, #tpu.memory_space<hbm>> -> memref<10112xf32, #tpu.memory_space<hbm>>
      %dma_wait3A_19 = arith.constant 0 : i32
      %dma_wait3A_20 = tpu.memref_slice %arg3[%add3A, %dma_wait3A_19] : memref<32x10112xf32, #tpu.memory_space<hbm>> -> memref<1x10112xf32, #tpu.memory_space<hbm>>
      %dma_wait3A_21 = tpu.memref_squeeze %dma_wait3A_20 : memref<1x10112xf32, #tpu.memory_space<hbm>> -> memref<10112xf32, #tpu.memory_space<hbm>>
      tpu.wait_dma2 semaphore(%run_scoped3A : memref<!tpu.dma_semaphore, #tpu.memory_space<semaphore_mem>>) src(%arg5 : memref<10112xf32, #tpu.memory_space<vmem>>) dst(%dma_wait3A_21 : memref<10112xf32, #tpu.memory_space<hbm>>)
      tpu.yield
    }) : () -> ()
    return
  }
}

module attributes {stable_mosaic.version = 14 : i64} {
  func.func @_tc1_body(%arg0: i32, %arg1: memref<1000x128xf32, #tpu.memory_space<vmem>>, %arg2: memref<128x128xf32, #tpu.memory_space<vmem>>, %arg3: memref<1000x32xf32, #tpu.memory_space<vmem>>, %arg4: memref<1000x128xf32, #tpu.memory_space<vmem>>, %arg5: memref<1000x1xf32, #tpu.memory_space<vmem>>) attributes {dimension_semantics = [#tpu.dimension_semantics<arbitrary>], iteration_bounds = array<i64: 10>, scalar_prefetch = 0 : i64, scratch_operands = 0 : i64, tpu.core_type = #tpu.core_type<tc>, window_params = [{transform_indices = @transform_0, window_bounds = array<i64: 1000, 128>}, {pipeline_mode = #tpu.pipeline_mode<synchronous>, transform_indices = @transform_1, window_bounds = array<i64: 128, 128>}, {transform_indices = @transform_2, window_bounds = array<i64: 1000, 32>}, {transform_indices = @transform_3, window_bounds = array<i64: 1000, 128>}, {transform_indices = @transform_4, window_bounds = array<i64: 1000, 1>}]} {
    %get3A = arith.constant 0 : index
    %get3A_0 = arith.constant 0 : index
    %get3A_1 = vector.load %arg3[%get3A, %get3A_0] : memref<1000x32xf32, #tpu.memory_space<vmem>>, vector<1000x32xf32>
    %reduce_sum3A = arith.constant dense<0.000000e+00> : vector<1000xf32>
    %reduce_sum3A_2 = vector.multi_reduction <add>, %get3A_1, %reduce_sum3A [1] : vector<1000x32xf32> to vector<1000xf32>
    %gt3A = arith.constant 0.000000e+00 : f32
    %gt3A_3 = vector.broadcast %gt3A : f32 to vector<1000xf32>
    %gt3A_4 = arith.cmpf ogt, %reduce_sum3A_2, %gt3A_3 : vector<1000xf32>
    %rsqrt3A = math.rsqrt %reduce_sum3A_2 : vector<1000xf32>
    %jit3A = arith.constant 0.000000e+00 : f32
    %broadcast_in_dim3A = vector.broadcast %jit3A : f32 to vector<1000xf32>
    %select_n3A = arith.select %gt3A_4, %rsqrt3A, %broadcast_in_dim3A : vector<1000xi1>, vector<1000xf32>
    %get3A_5 = arith.constant 0 : index
    %get3A_6 = arith.constant 0 : index
    %get3A_7 = vector.load %arg1[%get3A_5, %get3A_6] : memref<1000x128xf32, #tpu.memory_space<vmem>>, vector<1000x128xf32>
    %get3A_8 = arith.constant 0 : index
    %get3A_9 = arith.constant 0 : index
    %get3A_10 = vector.load %arg2[%get3A_8, %get3A_9] : memref<128x128xf32, #tpu.memory_space<vmem>>, vector<128x128xf32>
    %dot_general3A = arith.constant dense<0.000000e+00> : vector<1000x128xf32>
    %dot_general3A_11 = tpu.matmul %get3A_7, %get3A_10, %dot_general3A {dimension_numbers = #tpu.dot_dimension_numbers<[1], [0], [0], [1], [0, 0, 1, 1], [], []>, transpose_lhs_hint = false} : vector<1000x128xf32>, vector<128x128xf32>, vector<1000x128xf32> -> vector<1000x128xf32>
    %broadcast_in_dim3A_12 = vector.shape_cast %select_n3A : vector<1000xf32> to vector<1000x1xf32>
    %mul3A = vector.broadcast %broadcast_in_dim3A_12 : vector<1000x1xf32> to vector<1000x128xf32>
    %mul3A_13 = arith.mulf %mul3A, %dot_general3A_11 : vector<1000x128xf32>
    %swap3A = arith.constant 0 : index
    %swap3A_14 = arith.constant 0 : index
    %swap3A_15 = vector.load %arg4[%swap3A, %swap3A_14] : memref<1000x128xf32, #tpu.memory_space<vmem>>, vector<1000x128xf32>
    tpu.vector_store %arg4[%swap3A, %swap3A_14], %mul3A_13 {strides = array<i32>} : memref<1000x128xf32, #tpu.memory_space<vmem>>, vector<1000x128xf32>,
    %broadcast_in_dim3A_16 = vector.shape_cast %select_n3A : vector<1000xf32> to vector<1000x1xf32>
    %swap3A_17 = arith.constant 0 : index
    %swap3A_18 = arith.constant 0 : index
    %swap3A_19 = vector.load %arg5[%swap3A_17, %swap3A_18] : memref<1000x1xf32, #tpu.memory_space<vmem>>, vector<1000x1xf32>
    tpu.vector_store %arg5[%swap3A_17, %swap3A_18], %broadcast_in_dim3A_16 {strides = array<i32>} : memref<1000x1xf32, #tpu.memory_space<vmem>>, vector<1000x1xf32>,
    return
  }
  func.func @transform_0(%arg0: i32) -> (i32, i32) {
    %c0_i32 = arith.constant 0 : i32
    %c0_i32_0 = arith.constant 0 : i32
    return %arg0, %c0_i32 : i32, i32
  }
  func.func @transform_1(%arg0: i32) -> (i32, i32) {
    %c0_i32 = arith.constant 0 : i32
    %c0_i32_0 = arith.constant 0 : i32
    %c0_i32_1 = arith.constant 0 : i32
    return %c0_i32, %c0_i32_0 : i32, i32
  }
  func.func @transform_2(%arg0: i32) -> (i32, i32) {
    %c0_i32 = arith.constant 0 : i32
    %c0_i32_0 = arith.constant 0 : i32
    return %arg0, %c0_i32 : i32, i32
  }
  func.func @transform_3(%arg0: i32) -> (i32, i32) {
    %c0_i32 = arith.constant 0 : i32
    %c0_i32_0 = arith.constant 0 : i32
    return %arg0, %c0_i32 : i32, i32
  }
  func.func @transform_4(%arg0: i32) -> (i32, i32) {
    %c0_i32 = arith.constant 0 : i32
    %c0_i32_0 = arith.constant 0 : i32
    return %arg0, %c0_i32 : i32, i32
  }
}

module attributes {stable_mosaic.version = 14 : i64} {
  func.func @_tc2_body(%arg0: i32, %arg1: memref<2x1000x128xf32, #tpu.memory_space<vmem>>, %arg2: memref<1000x1xf32, #tpu.memory_space<vmem>>, %arg3: memref<1x128xf32, #tpu.memory_space<vmem>>, %arg4: memref<128x128xf32, #tpu.memory_space<vmem>>, %arg5: memref<1000x128xf32, #tpu.memory_space<vmem>>) attributes {dimension_semantics = [#tpu.dimension_semantics<arbitrary>], iteration_bounds = array<i64: 10>, scalar_prefetch = 0 : i64, scratch_operands = 0 : i64, tpu.core_type = #tpu.core_type<tc>, window_params = [{transform_indices = @transform_0, window_bounds = array<i64: 2, 1000, 128>}, {transform_indices = @transform_1, window_bounds = array<i64: 1000, 1>}, {pipeline_mode = #tpu.pipeline_mode<synchronous>, transform_indices = @transform_2, window_bounds = array<i64: 1, 128>}, {pipeline_mode = #tpu.pipeline_mode<synchronous>, transform_indices = @transform_3, window_bounds = array<i64: 128, 128>}, {transform_indices = @transform_4, window_bounds = array<i64: 1000, 128>}]} {
    %get3A = arith.constant 0 : index
    %get3A_0 = arith.constant 0 : index
    %get3A_1 = arith.constant 0 : index
    %get3A_2 = vector.load %arg1[%get3A, %get3A_0, %get3A_1] : memref<2x1000x128xf32, #tpu.memory_space<vmem>>, vector<1x1000x128xf32>
    %get3A_3 = vector.shape_cast %get3A_2 : vector<1x1000x128xf32> to vector<1000x128xf32>
    %get3A_4 = arith.constant 1 : index
    %get3A_5 = arith.constant 0 : index
    %get3A_6 = arith.constant 0 : index
    %get3A_7 = vector.load %arg1[%get3A_4, %get3A_5, %get3A_6] : memref<2x1000x128xf32, #tpu.memory_space<vmem>>, vector<1x1000x128xf32>
    %get3A_8 = vector.shape_cast %get3A_7 : vector<1x1000x128xf32> to vector<1000x128xf32>
    %add3A = arith.addf %get3A_3, %get3A_8 : vector<1000x128xf32>
    %get3A_9 = arith.constant 0 : index
    %get3A_10 = arith.constant 0 : index
    %get3A_11 = vector.load %arg2[%get3A_9, %get3A_10] : memref<1000x1xf32, #tpu.memory_space<vmem>>, vector<1000x1xf32>
    %mul3A = vector.broadcast %get3A_11 : vector<1000x1xf32> to vector<1000x128xf32>
    %mul3A_12 = arith.mulf %mul3A, %add3A : vector<1000x128xf32>
    %get3A_13 = arith.constant 0 : index
    %get3A_14 = arith.constant 0 : index
    %get3A_15 = vector.load %arg3[%get3A_13, %get3A_14] : memref<1x128xf32, #tpu.memory_space<vmem>>, vector<1x128xf32>
    %add3A_16 = vector.broadcast %get3A_15 : vector<1x128xf32> to vector<1000x128xf32>
    %add3A_17 = arith.addf %mul3A_12, %add3A_16 : vector<1000x128xf32>
    %max3A = arith.constant 0.000000e+00 : f32
    %max3A_18 = vector.broadcast %max3A : f32 to vector<1000x128xf32>
    %max3A_19 = arith.maximumf %add3A_17, %max3A_18 : vector<1000x128xf32>
    %get3A_20 = arith.constant 0 : index
    %get3A_21 = arith.constant 0 : index
    %get3A_22 = vector.load %arg4[%get3A_20, %get3A_21] : memref<128x128xf32, #tpu.memory_space<vmem>>, vector<128x128xf32>
    %dot_general3A = arith.constant dense<0.000000e+00> : vector<1000x128xf32>
    %dot_general3A_23 = tpu.matmul %max3A_19, %get3A_22, %dot_general3A {dimension_numbers = #tpu.dot_dimension_numbers<[1], [0], [0], [1], [0, 0, 1, 1], [], []>, transpose_lhs_hint = false} : vector<1000x128xf32>, vector<128x128xf32>, vector<1000x128xf32> -> vector<1000x128xf32>
    %mul3A_24 = vector.broadcast %get3A_11 : vector<1000x1xf32> to vector<1000x128xf32>
    %mul3A_25 = arith.mulf %mul3A_24, %dot_general3A_23 : vector<1000x128xf32>
    %swap3A = arith.constant 0 : index
    %swap3A_26 = arith.constant 0 : index
    %swap3A_27 = vector.load %arg5[%swap3A, %swap3A_26] : memref<1000x128xf32, #tpu.memory_space<vmem>>, vector<1000x128xf32>
    tpu.vector_store %arg5[%swap3A, %swap3A_26], %mul3A_25 {strides = array<i32>} : memref<1000x128xf32, #tpu.memory_space<vmem>>, vector<1000x128xf32>,
    return
  }
  func.func @transform_0(%arg0: i32) -> (i32, i32, i32) {
    %c0_i32 = arith.constant 0 : i32
    %c0_i32_0 = arith.constant 0 : i32
    %c0_i32_1 = arith.constant 0 : i32
    return %c0_i32, %arg0, %c0_i32_0 : i32, i32, i32
  }
  func.func @transform_1(%arg0: i32) -> (i32, i32) {
    %c0_i32 = arith.constant 0 : i32
    %c0_i32_0 = arith.constant 0 : i32
    return %arg0, %c0_i32 : i32, i32
  }
  func.func @transform_2(%arg0: i32) -> (i32, i32) {
    %c0_i32 = arith.constant 0 : i32
    %c0_i32_0 = arith.constant 0 : i32
    %c0_i32_1 = arith.constant 0 : i32
    return %c0_i32, %c0_i32_0 : i32, i32
  }
  func.func @transform_3(%arg0: i32) -> (i32, i32) {
    %c0_i32 = arith.constant 0 : i32
    %c0_i32_0 = arith.constant 0 : i32
    %c0_i32_1 = arith.constant 0 : i32
    return %c0_i32, %c0_i32_0 : i32, i32
  }
  func.func @transform_4(%arg0: i32) -> (i32, i32) {
    %c0_i32 = arith.constant 0 : i32
    %c0_i32_0 = arith.constant 0 : i32
    return %arg0, %c0_i32 : i32, i32
  }
}

module attributes {stable_mosaic.version = 14 : i64} {
  func.func @_tc3_body(%arg0: i32, %arg1: memref<2x1000x128xf32, #tpu.memory_space<vmem>>, %arg2: memref<1000x1xf32, #tpu.memory_space<vmem>>, %arg3: memref<1x128xf32, #tpu.memory_space<vmem>>, %arg4: memref<1000x128xf32, #tpu.memory_space<vmem>>) attributes {dimension_semantics = [#tpu.dimension_semantics<arbitrary>], iteration_bounds = array<i64: 10>, scalar_prefetch = 0 : i64, scratch_operands = 0 : i64, tpu.core_type = #tpu.core_type<tc>, window_params = [{transform_indices = @transform_0, window_bounds = array<i64: 2, 1000, 128>}, {transform_indices = @transform_1, window_bounds = array<i64: 1000, 1>}, {pipeline_mode = #tpu.pipeline_mode<synchronous>, transform_indices = @transform_2, window_bounds = array<i64: 1, 128>}, {transform_indices = @transform_3, window_bounds = array<i64: 1000, 128>}]} {
    %get3A = arith.constant 0 : index
    %get3A_0 = arith.constant 0 : index
    %get3A_1 = arith.constant 0 : index
    %get3A_2 = vector.load %arg1[%get3A, %get3A_0, %get3A_1] : memref<2x1000x128xf32, #tpu.memory_space<vmem>>, vector<1x1000x128xf32>
    %get3A_3 = vector.shape_cast %get3A_2 : vector<1x1000x128xf32> to vector<1000x128xf32>
    %get3A_4 = arith.constant 1 : index
    %get3A_5 = arith.constant 0 : index
    %get3A_6 = arith.constant 0 : index
    %get3A_7 = vector.load %arg1[%get3A_4, %get3A_5, %get3A_6] : memref<2x1000x128xf32, #tpu.memory_space<vmem>>, vector<1x1000x128xf32>
    %get3A_8 = vector.shape_cast %get3A_7 : vector<1x1000x128xf32> to vector<1000x128xf32>
    %add3A = arith.addf %get3A_3, %get3A_8 : vector<1000x128xf32>
    %get3A_9 = arith.constant 0 : index
    %get3A_10 = arith.constant 0 : index
    %get3A_11 = vector.load %arg2[%get3A_9, %get3A_10] : memref<1000x1xf32, #tpu.memory_space<vmem>>, vector<1000x1xf32>
    %mul3A = vector.broadcast %get3A_11 : vector<1000x1xf32> to vector<1000x128xf32>
    %mul3A_12 = arith.mulf %mul3A, %add3A : vector<1000x128xf32>
    %get3A_13 = arith.constant 0 : index
    %get3A_14 = arith.constant 0 : index
    %get3A_15 = vector.load %arg3[%get3A_13, %get3A_14] : memref<1x128xf32, #tpu.memory_space<vmem>>, vector<1x128xf32>
    %add3A_16 = vector.broadcast %get3A_15 : vector<1x128xf32> to vector<1000x128xf32>
    %add3A_17 = arith.addf %mul3A_12, %add3A_16 : vector<1000x128xf32>
    %swap3A = arith.constant 0 : index
    %swap3A_18 = arith.constant 0 : index
    %swap3A_19 = vector.load %arg4[%swap3A, %swap3A_18] : memref<1000x128xf32, #tpu.memory_space<vmem>>, vector<1000x128xf32>
    tpu.vector_store %arg4[%swap3A, %swap3A_18], %add3A_17 {strides = array<i32>} : memref<1000x128xf32, #tpu.memory_space<vmem>>, vector<1000x128xf32>,
    return
  }
  func.func @transform_0(%arg0: i32) -> (i32, i32, i32) {
    %c0_i32 = arith.constant 0 : i32
    %c0_i32_0 = arith.constant 0 : i32
    %c0_i32_1 = arith.constant 0 : i32
    return %c0_i32, %arg0, %c0_i32_0 : i32, i32, i32
  }
  func.func @transform_1(%arg0: i32) -> (i32, i32) {
    %c0_i32 = arith.constant 0 : i32
    %c0_i32_0 = arith.constant 0 : i32
    return %arg0, %c0_i32 : i32, i32
  }
  func.func @transform_2(%arg0: i32) -> (i32, i32) {
    %c0_i32 = arith.constant 0 : i32
    %c0_i32_0 = arith.constant 0 : i32
    %c0_i32_1 = arith.constant 0 : i32
    return %c0_i32, %c0_i32_0 : i32, i32
  }
  func.func @transform_3(%arg0: i32) -> (i32, i32) {
    %c0_i32 = arith.constant 0 : i32
    %c0_i32_0 = arith.constant 0 : i32
    return %arg0, %c0_i32 : i32, i32
  }
}

</mosaic_0001>

<sc_bundles>
// kernel: kernel.11.cloned.1.call-start
scs
__scs_entry_jumppad:
0x0: {  	(pc) =	sbr.rel $0x88, $3  }
0x1: {  	(tag) =	ssettag $0x0;
	lr =	simm.s32 $0x1  }
0x2: {  	[smem:$0x3F9B] =	sst lr;
	_ =	strace $0xD0000000  }
0x3: {  	_ = 	snop  }
0x4: {  	_ = 	snop  }
0x5: {  	_ = 	snop  }
0x6: {  	_ = 	snop  }
0x7: {  	_ = 	snop  }
__scs_overlays_trampoline_lowered:
0x8: {  	[smem:$0x3FAA] =	sst s0  }
0x9: {  	[smem:$0x3FAB] =	sst s1  }
0xa: {  	[smem:$0x3FAC] =	sst s2  }
0xb: {  	[smem:$0x3FAD] =	sst s3  }
0xc: {  	[smem:$0x3FAE] =	sst s4  }
0xd: {  	[smem:$0x3FAF] =	sst s5  }
0xe: {  	[smem:$0x3FB0] =	sst s6  }
0xf: {  	[smem:$0x3FB1] =	sst s7  }
0x10: {  	[smem:$0x3FB2] =	sst s8  }
0x11: {  	[smem:$0x3FB3] =	sst s9;
	s0 =	simm.s32 @!p0 $0x0  }
0x12: {  	s1 =	sld [smem:$0x3F99];
	s0 =	simm.s32 @p0 $0x1  }
0x13: {  	[smem:$0x3FB4] =	sst s0;
	s0 =	simm.s32 @!p1 $0x0  }
0x14: {  	s2 =	sld [smem:$0x3F98];
	s0 =	simm.s32 @p1 $0x1  }
0x15: {  	[smem:$0x3FB5] =	sst s0;
	s0 =	simm.s32 @!p2 $0x0  }
0x16: {  	s3 =	sld [smem:$0x3FDB];
	s0 =	simm.s32 @p2 $0x1  }
0x17: {  	s4 =	simm.s32 $0x1BF5;
	[smem:$0x3FB7] =	sst s0  }
0x18: {  	s0 =	sld [smem:$0x3F9A];
	_ =	swait.ge [sflag:s4], $0x0  }
0x19: {  	s7 =	sld [smem:$0x3F9B]  }
0x1a: {  	s8 =	sadd.s32 $0xFFFFE003, lr  }
0x1b: {  	s9 =	sadd.s32 $0xFFFFFEF7, lr;
	s5 =	simm.s32 $0xFFFFFFFF;
	p2 =	slt.u32 s8, $0xFFFFF086  }
0x1c: {  	p1 =	slt.u32 s9, $0xF7A;
	s5 =	simm.s32 @!p2 $0x0  }
0x1d: {  	s5 =	simm.s32 @p1 $0x1;
	p0 =	seq.s32 s7, s2  }
0x1e: {  	s7 =	smul.u32 @!p0 $0xF7A, s2;
	p2 =	seq.s32 @!p0 s5, $0x0  }
0x1f: {  	s9 =	smul.u32 $0xF7A, s1;
	s8 =	simm.s32 @!p0 $0x1BF5;
	p2 =	por !p2, p0  }
0x20: {  	[sflag:s8] =	ssyncset.s32 @!p0 $0xFFFFF086;
	s6 =	sadd.s32 @!p0 s3, s7;
	s7 =	simm.s32 @!p0 $0x108  }
0x21: {  	s3 =	sadd.s32 s3, s9;
	s6 =	sadd.s32 @!p0 $0x88, s6;
	s7 =	simm.s32 @p2 $0x1082  }
0x22: {  	[simem:s7], [sflag:s8] =	dma.local @!p0 [hbm:s6], $0xF7A  }
0x23: {  	s9 =	sor.u32 $0xD0000000, s2;
	s6 =	simm.s32 $0x108;
	_ =	swait.ge @!p0 [sflag:s8], $0x0  }
0x24: {  	s3 =	sadd.s32 $0x88, s3;
	s6 =	simm.s32 @!p1 $0x1082;
	[sflag:s4] =	ssyncset.s32 $0xFFFFF086  }
0x25: {  	[simem:s6], [sflag:s4] =	dma.local [hbm:s3], $0xF7A  }
0x26: {  	[smem:$0x3F9B] =	sst s1;
	(tag) =	ssettag s2;
	_ =	strace s9  }
0x27: {  	s1 =	sld [smem:$0x3FAB]  }
0x28: {  	s2 =	sld [smem:$0x3FAC]  }
0x29: {  	s4 =	sld [smem:$0x3FAE]  }
0x2a: {  	p0 =	seq.s32 s5, $0x0;
	s5 =	sld [smem:$0x3FAF]  }
0x2b: {  	s6 =	sld [smem:$0x3FB0]  }
0x2c: {  	s7 =	sld [smem:$0x3FB1]  }
0x2d: {  	s3 =	simm.s32 $0x108;
	s8 =	sld [smem:$0x3FB2]  }
0x2e: {  	s3 =	simm.s32 @!p0 $0x1082;
	s9 =	sld [smem:$0x3FB3]  }
0x2f: {  	lr =	sadd.s32 s0, s3;
	s0 =	sld [smem:$0x3FAA]  }
0x30: {  	s3 =	sld [smem:$0x3FAD]  }
0x31: {  	[smem:$0x3FB6] =	sst s10  }
0x32: {  	s10 =	sld [smem:$0x3FB4];
	_ =	sdelay $0x3  }
0x33: {  	p0 =	seq.s32 s10, $0x1;
	s10 =	sld [smem:$0x3FB6];
	_ =	sdelay $0x3  }
0x34: {  	[smem:$0x3FB6] =	sst s10  }
0x35: {  	s10 =	sld [smem:$0x3FB5];
	_ =	sdelay $0x3  }
0x36: {  	p1 =	seq.s32 s10, $0x1;
	s10 =	sld [smem:$0x3FB6];
	_ =	sdelay $0x3  }
0x37: {  	[smem:$0x3FB6] =	sst s10  }
0x38: {  	s10 =	sld [smem:$0x3FB7]  }
0x39: {  	_ = 	snop;
	(pc) =	sbr.ind lr, $3  }
0x3a: {  	_ = 	snop  }
0x3b: {  	_ = 	snop  }
0x3c: {  	p2 =	seq.s32 s10, $0x1;
	s10 =	sld [smem:$0x3FB6]  }
0x3d: {  	_ =	shalt  }
0x3e: {  	_ =	shalt  }
0x3f: {  	_ =	shalt  }
0x40: {  	_ =	shalt  }
0x41: {  	_ =	shalt  }
0x42: {  	_ =	shalt  }
0x43: {  	_ =	shalt  }
0x44: {  	_ =	shalt  }
0x45: {  	_ =	shalt  }
0x46: {  	_ =	shalt  }
0x47: {  	_ =	shalt  }
0x48: {  	_ =	shalt  }
0x49: {  	_ =	shalt  }
0x4a: {  	_ =	shalt  }
0x4b: {  	_ =	shalt  }
0x4c: {  	_ =	shalt  }
0x4d: {  	_ =	shalt  }
0x4e: {  	_ =	shalt  }
0x4f: {  	_ =	shalt  }
0x50: {  	_ =	shalt  }
0x51: {  	_ =	shalt  }
0x52: {  	_ =	shalt  }
0x53: {  	_ =	shalt  }
0x54: {  	_ =	shalt  }
0x55: {  	_ =	shalt  }
0x56: {  	_ =	shalt  }
0x57: {  	_ =	shalt  }
0x58: {  	_ =	shalt  }
0x59: {  	_ =	shalt  }
0x5a: {  	_ =	shalt  }
0x5b: {  	_ =	shalt  }
0x5c: {  	_ =	shalt  }
0x5d: {  	_ =	shalt  }
0x5e: {  	_ =	shalt  }
0x5f: {  	_ =	shalt  }
0x60: {  	_ =	shalt  }
0x61: {  	_ =	shalt  }
0x62: {  	_ =	shalt  }
0x63: {  	_ =	shalt  }
0x64: {  	_ =	shalt  }
0x65: {  	_ =	shalt  }
0x66: {  	_ =	shalt  }
0x67: {  	_ =	shalt  }
0x68: {  	_ =	shalt  }
0x69: {  	_ =	shalt  }
0x6a: {  	_ =	shalt  }
0x6b: {  	_ =	shalt  }
0x6c: {  	_ =	shalt  }
0x6d: {  	_ =	shalt  }
0x6e: {  	_ =	shalt  }
0x6f: {  	_ =	shalt  }
0x70: {  	_ =	shalt  }
0x71: {  	_ =	shalt  }
0x72: {  	_ =	shalt  }
0x73: {  	_ =	shalt  }
0x74: {  	_ =	shalt  }
0x75: {  	_ =	shalt  }
0x76: {  	_ =	shalt  }
0x77: {  	_ =	shalt  }
0x78: {  	_ =	shalt  }
0x79: {  	_ =	shalt  }
0x7a: {  	_ =	shalt  }
0x7b: {  	_ =	shalt  }
0x7c: {  	_ =	shalt  }
0x7d: {  	_ =	shalt  }
0x7e: {  	_ =	shalt  }
0x7f: {  	_ =	shalt  }
0x80: {  	_ =	shalt  }
0x81: {  	_ =	shalt  }
0x82: {  	_ =	shalt  }
0x83: {  	_ =	shalt  }
0x84: {  	_ =	shalt  }
0x85: {  	_ =	shalt  }
0x86: {  	_ =	shalt  }
0x87: {  	_ =	shalt  }
.Lfunc_end0:
.L_simem_size_0:
called_computation.1_lowered:
.L_overlay_start_0:
0x88: {  	s2 =	sld [smem:$0x3FD9]  }
0x89: {  	s3 =	sld [smem:$0x3FFE];
	_ =	sdelay $0x1  }
0x8a: {  	s1 =	srdreg.scid  }
0x8b: {  	s0 =	sand.u32 $0x1, s1  }
0x8c: {  	s17 =	sshll.u32 s0, $0xA;
	s2 =	sadd.s32 s3, s2  }
0x8d: {  	s2 =	sadd.s32 s2, s17  }
0x8e: {  	[smem:$0x3FC2] =	sst s2  }
0x8f: {  	_ = 	snop  }
0x90: {  	s2 =	sld [smem:$0x3FD0];
	(tm) =	ssettm $0x1  }
0x91: {  	s18 =	sld [smem:$0x3FFB];
	_ =	sdelay $0x3  }
0x92: {  	_ =	strace s18  }
0x93: {  	s3 =	sld [smem:$0x3FFC];
	_ =	sdelay $0x3  }
0x94: {  	_ =	strace s3  }
0x95: {  	s3 =	sld [smem:$0x3FFD];
	_ =	sdelay $0x3  }
0x96: {  	_ =	strace s3  }
0x97: {  	_ =	strace $0x8FFFFFFF  }
0x98: {  	s19 =	sld [smem:$0x3FDB];
	_ =	sdelay $0x1  }
0x99: {  	s4 =	simm.s32 $_scs_section_size  }
0x9a: {  	s5 =	simm.s32 $_size__tile_overlayer_lowered;
	s6 =	simm.s32 $_tile_overlayer_lowered  }
0x9b: {  	s22 =	simm.s32 $0x1BFF;
	s21 =	sshll.u32 s6, $0x1;
	s3 =	sadd.s32 s4, s19  }
0x9c: {  	s7 =	simm.s32 $0x0;
	s20 =	sshll.u32 s5, $0x1;
	s5 =	sadd.s32 s21, s3  }
0x9d: {  	[timem:s7], [sflag:s22] =	dma.local [hbm:s5], s20  }
0x9e: {  	_ =	swait.ge [sflag:s22], s20  }
0x9f: {  	s4 =	ssub.s32 $0x0, s20;
	[sflag:s22] =	ssyncset.done $0x0  }
0xa0: {  	[sflag:s22] =	ssyncadd.s32 s4;
	_ =	sdelay $0x1  }
0xa1: {  	s23 =	simm.s32 $0x1B8B  }
0xa2: {  	_ =	swait.ge [sflag:s23], $0x1  }
0xa3: {  	[sflag:s23] =	ssyncset.done $0x0  }
0xa4: {  	s25 =	simm.s32 $0x1B8E;
	s24 =	sld [smem:$0x3FFE];
	[sflag:s23] =	ssyncadd.s32 $0xFFFFFFFF  }
0xa5: {  	s26 =	simm.s32 $execute0_lowered;
	[smem:$0x3FD2] =	sst s25  }
0xa6: {  	s5 =	sshll.u32 s26, $0x1;
	_ =	strace $0x80000049;
	[dreg:$0x1] =	wrdreg $0xFFFFFFFF  }
0xa7: {  	s28 =	simm.s32 $_size_execute0_lowered;
	s3 =	sadd.s32 s3, s5;
	[dreg:$0x0] =	wrdreg $0x0  }
0xa8: {  	s5 =	sshll.u32 s28, $0x1;
	[dreg:$0x2] =	wrdreg s3  }
0xa9: {  	[dreg:$0x3] =	wrdreg s5  }
0xaa: {  	[dreg:$0x4] =	wrdreg $0xC0  }
0xab: {  	_ =	task [dreg:s7], $0x5FFFF  }
0xac: {  	[dreg:$0x1] =	wrdreg $0xFFFFFFFF  }
0xad: {  	[dreg:$0x0] =	wrdreg $0x60  }
0xae: {  	[dreg:$0x2] =	wrdreg s2  }
0xaf: {  	[dreg:$0x3] =	wrdreg s24  }
0xb0: {  	[dreg:$0x4] =	wrdreg $0xB7800  }
0xb1: {  	[dreg:$0x5] =	wrdreg $0x9  }
0xb2: {  	_ =	task.clear_ibuf [dreg:s7], $0x6FFFF;
	_ =	strace $0x90000049  }
0xb3: {  	s29 =	simm.s32 $0x9;
	_ =	strace $0x8000004B  }
0xb4: {  	_ =	swait.ge [sflag:s29], $0x1  }
0xb5: {  	[sflag:s29] =	ssyncadd.s32 $0xFFFFFFFF  }
0xb6: {  	_ =	strace $0x9000004B  }
0xb7: {  	_ =	sfence  }
0xb8: {  	s30 =	sld [smem:$0x0];
	_ =	sdelay $0x2  }
0xb9: {  	s31 =	sshll.u32 s1, $0xD;
	s1 =	sshrl.u32 s1, $0x2  }
0xba: {  	s3 =	sand.u32 $0x4000, s31;
	s1 =	sadd.s32 s1, s30  }
0xbb: {  	s0 =	sor.u32 s3, s0;
	s1 =	sshll.u32 s1, $0x11  }
0xbc: {  	s0 =	sor.u32 s1, s0  }
0xbd: {  	s0 =	sadd.s32 $0x8F2B, s0  }
0xbe: {  	[sflag:s0] =	ssyncadd.remote.s32 $0x1  }
0xbf: {  	_ =	sfence.sel $0xFFFF  }
0xc0: {  	[dreg:$0x0] =	wrdreg $0xFFFFFFFF;
	(pc) =	sbr.abs _section_cstart, $3  }
0xc1: {  	[dreg:$0x1] =	wrdreg $0xFFFFFFFF  }
0xc2: {  	_ =	task.clear_ibuf [dreg:s7], $0x2FFFF;
	_ =	strace $0x9FFFFFFF  }
0xc3: {  	(tm) =	ssettm $0x7FFFFFFF  }
tec
execute0_lowered:
.L_overlay_start_1:
0x0: {  	(tag) =	ssettag $0x1  }
0x1: {  	s1 =	rddreg [dreg:$0x0]  }
0x2: {  	s0 =	srdreg.scid;
	s6 =	rddreg [dreg:$0x1]  }
0x3: {  	s3 =	rddreg [dreg:$0x2];
	s12 =	simm.s32 $0x3;
	s13 =	simm.s32 $0x2780  }
0x4: {  	s16 =	simm.s32 $0x50;
	s17 =	simm.s32 $0x6780;
	s18 =	simm.s32 $0x8F80  }
0x5: {  	s19 =	simm.s32 $0x1;
	s20 =	simm.s32 $0x2;
	s21 =	simm.s32 $0x6480  }
0x6: {  	s22 =	simm.s32 $0x26C0;
	s23 =	simm.s32 $0x6500;
	s5 =	sand.u32 $0x1, s0  }
0x7: {  	s24 =	simm.s32 $0x6580;
	s0 =	stileid.u32;
	s10 =	smul.u32 $0x13C000, s5  }
0x8: {  	s25 =	simm.s32 $0x0;
	s2 =	sshll.u32 s5, $0x4;
	s28 =	smul.u32 $0x13C00, s0  }
0x9: {  	s9 =	sshll.u32 s0, $0x7;
	s29 =	ssub.s32 $0x2, s5;
	s11 =	smul.u32 $0x4F000, s0  }
0xa: {  	s5 =	sadd.s32 $0x1E00, s6;
	s14 =	sshll.u32 s0, $0x6;
	s7 =	sor.u32 s0, s2  }
0xb: {  	s2 =	rddreg [dreg:$0x3];
	s9 =	sand.u32 $0x380, s9;
	s30 =	sshrl.u32 s29, $0x1  }
0xc: {  	s14 =	sor.u32 $0x1C03, s14;
	s4 =	sshrl.u32 s7, $0x3;
	s7 =	sshll.u32 s7, $0xB  }
0xd: {  	s31 =	sshrl.u32 s11, $0x2;
	s11 =	simm.s32 $0x400;
	s8 =	smul.u32 $0x13C00, s4  }
0xe: {  	s4 =	simm.s32 $0x0;
	s7 =	sadd.s32 s7, s6;
	s15 =	sadd.s32 s31, s3  }
0xf: {  	[smem:$0x7FF] =	sst s4;
	s7 =	sadd.s32 $0xBC00, s7;
	s8 =	sor.u32 s9, s8  }
0x10: {  	s15 =	sshrl.u32 s15, $0x3;
	s9 =	sadd.s32 s28, s10;
	s8 =	sshrl.u32 s8, $0x3  }
0x11: {  	_ =	strace $0x8000004A;
	s9 =	sshrl.u32 s9, $0x3;
	s8 =	sadd.s32 s8, s6  }
0x12: {  	s10 =	ssub.s32 s29, s30;
	s9 =	sadd.s32 s9, s6;
	s6 =	sadd.s32 $0x1BC00, s8  }
0x13: {  	s8 =	sadd.s32 $0x25A00, s9;
	s9 =	smax.u32 s10, $0x1;
	s10 =	simm.s32 $0x80  }
.LBB2_1:
0x14: {  	[tilespmem:s4], [sflag:$0x3] =	stream.strided.gather [hbm4b:s6+s10], $0x2780, s11, s10, $0x38;
	[tilespmem:$0x1F380] =	vst v63  }
0x15: {  	_ =	swait.ge [sflag:s12], $0x2780  }
0x16: {  	[sflag:s12] =	ssyncset.done $0x0  }
0x17: {  	[sflag:s12] =	ssyncadd.s32 $0xFFFFD880  }
0x18: {  	[tilespmem:s13], [sflag:$0x3] =	stream.linear.gather [hbm4b:s7+s4], $0x3E80, $0x38;
	[tilespmem:$0x1F380] =	vst v63  }
0x19: {  	_ =	swait.ge [sflag:s12], $0x3E80  }
0x1a: {  	[sflag:s12] =	ssyncset.done $0x0  }
0x1b: {  	[sflag:s12] =	ssyncadd.s32 $0xFFFFC180  }
0x1c: {  	[spmem:s15], [sflag:s14] =	dma.local [hbm:s5], $0x2780  }
0x1d: {  	_ =	swait.ge [sflag:s12], $0x2780  }
0x1e: {  	[sflag:s12] =	ssyncset.done $0x0  }
0x1f: {  	[sflag:s12] =	ssyncadd.s32 $0xFFFFD880  }
0x20: {  	[bflag:$0x0] =	sbarrier.arrive $0xFFFF  }
0x21: {  	[tilespmem:s17], [sflag:$0x1] =	stream.indirect.gather [hbm4b:s1+s16], $0x80, s4, s16, $0xb8;
	[tilespmem:$0x1F380] =	vst v63  }
0x22: {  	_ = 	snop  }
0x23: {  	[tilespmem:s18], [sflag:$0x2] =	stream.indirect.gather [hbm4b:s1+s16], $0x80, s16, s16, $0xb8;
	[tilespmem:$0x1F380] =	vst v63  }
0x24: {  	_ =	swait.ge [sflag:s19], $0x2800  }
0x25: {  	[sflag:s19] =	ssyncset.done $0x0  }
0x26: {  	s26 =	simm.s32 $0x2780;
	[sflag:s19] =	ssyncadd.s32 $0xFFFFD800  }
0x27: {  	[spmem:s3] =	stream.indirect.scatter.add.f32 [tilespmem:s17], [sflag:$0x3], $0x80, s26, s16, $0xb8;
	[tilespmem:$0x1F380] =	vst v63  }
0x28: {  	_ =	swait.ge [sflag:s12], $0x2800  }
0x29: {  	[sflag:s12] =	ssyncset.done $0x0  }
0x2a: {  	s30 =	simm.s32 $0xA0;
	[sflag:s12] =	ssyncadd.s32 $0xFFFFD800  }
0x2b: {  	[tilespmem:s17], [sflag:$0x1] =	stream.indirect.gather [hbm4b:s1+s16], $0x80, s30, s16, $0xb8;
	[tilespmem:$0x1F380] =	vst v63  }
0x2c: {  	_ =	swait.ge [sflag:s20], $0x2800  }
0x2d: {  	[sflag:s20] =	ssyncset.done $0x0  }
0x2e: {  	s31 =	simm.s32 $0x2800;
	[sflag:s20] =	ssyncadd.s32 $0xFFFFD800  }
0x2f: {  	[spmem:s3] =	stream.indirect.scatter.add.f32 [tilespmem:s18], [sflag:$0x3], $0x80, s31, s16, $0xb8;
	[tilespmem:$0x1F380] =	vst v63  }
0x30: {  	_ =	swait.ge [sflag:s12], $0x2800  }
0x31: {  	s28 =	simm.s32 $0x400;
	[sflag:s12] =	ssyncset.done $0x0  }
0x32: {  	s29 =	simm.s32 $0x190;
	s26 =	simm.s32 $0xF0;
	[sflag:s12] =	ssyncadd.s32 $0xFFFFD800  }
.LBB2_2:
0x33: {  	[tilespmem:s18], [sflag:$0x2] =	stream.indirect.gather [hbm4b:s1+s16], $0x80, s26, s16, $0xb8;
	[tilespmem:$0x1F380] =	vst v63  }
0x34: {  	s30 =	smov.u32 s28;
	s26 =	smov.u32 s29  }
0x35: {  	p0 =	sne.s32 s28, $0xF000;
	s28 =	sadd.s32 $0x400, s28;
	_ =	swait.ge [sflag:s19], $0x2800  }
0x36: {  	s30 =	sshra.s32 s30, $0x2;
	[sflag:s19] =	ssyncset.done $0x0  }
0x37: {  	s31 =	sadd.s32 $0x2780, s30;
	[sflag:s19] =	ssyncadd.s32 $0xFFFFD800  }
0x38: {  	[spmem:s3] =	stream.indirect.scatter.add.f32 [tilespmem:s17], [sflag:$0x3], $0x80, s31, s16, $0xb8;
	[tilespmem:$0x1F380] =	vst v63  }
0x39: {  	_ =	swait.ge [sflag:s12], $0x2800  }
0x3a: {  	[sflag:s12] =	ssyncset.done $0x0  }
0x3b: {  	s31 =	sadd.s32 $0xFFFFFFB0, s29;
	[sflag:s12] =	ssyncadd.s32 $0xFFFFD800  }
0x3c: {  	[tilespmem:s17], [sflag:$0x1] =	stream.indirect.gather [hbm4b:s1+s16], $0x80, s31, s16, $0xb8;
	[tilespmem:$0x1F380] =	vst v63  }
0x3d: {  	_ =	swait.ge [sflag:s20], $0x2800  }
0x3e: {  	[sflag:s20] =	ssyncset.done $0x0  }
.Ltmp0:
0x3f: {  	s30 =	sadd.s32 $0x2800, s30;
	[sflag:s20] =	ssyncadd.s32 $0xFFFFD800;
	(pc) =	sbr.rel @p0 .LBB2_2-.Ltmp0, $4  }
0x40: {  	[spmem:s3] =	stream.indirect.scatter.add.f32 [tilespmem:s18], [sflag:$0x3], $0x80, s30, s16, $0xb8;
	[tilespmem:$0x1F380] =	vst v63  }
0x41: {  	_ =	swait.ge [sflag:s12], $0x2800  }
0x42: {  	[sflag:s12] =	ssyncset.done $0x0  }
0x43: {  	s29 =	sadd.s32 $0xA0, s29;
	[sflag:s12] =	ssyncadd.s32 $0xFFFFD800  }
0x44: {  	[tilespmem:s18], [sflag:$0x2] =	stream.indirect.gather [hbm4b:s1+s16], $0x80, s26, s16, $0xb8;
	[tilespmem:$0x1F380] =	vst v63  }
0x45: {  	_ =	swait.ge [sflag:s19], $0x2800  }
0x46: {  	[sflag:s19] =	ssyncset.done $0x0  }
0x47: {  	[sflag:s19] =	ssyncadd.s32 $0xFFFFD800  }
0x48: {  	[spmem:s3] =	stream.indirect.scatter.add.f32 [tilespmem:s17], [sflag:$0x3], $0x80, s21, s16, $0xb8;
	[tilespmem:$0x1F380] =	vst v63  }
0x49: {  	_ =	swait.ge [sflag:s12], $0x2800  }
0x4a: {  	[sflag:s12] =	ssyncset.done $0x0  }
0x4b: {  	[sflag:s12] =	ssyncadd.s32 $0xFFFFD800  }
0x4c: {  	[tilespmem:s17], [sflag:$0x1] =	stream.indirect.gather [hbm4b:s1+s16], $0x80, s22, s16, $0xb8;
	[tilespmem:$0x1F380] =	vst v63  }
0x4d: {  	_ =	swait.ge [sflag:s20], $0x2800  }
0x4e: {  	[sflag:s20] =	ssyncset.done $0x0  }
0x4f: {  	[sflag:s20] =	ssyncadd.s32 $0xFFFFD800  }
0x50: {  	[spmem:s3] =	stream.indirect.scatter.add.f32 [tilespmem:s18], [sflag:$0x3], $0x80, s23, s16, $0xb8;
	[tilespmem:$0x1F380] =	vst v63  }
0x51: {  	_ =	swait.ge [sflag:s12], $0x2800  }
0x52: {  	[sflag:s12] =	ssyncset.done $0x0  }
0x53: {  	[sflag:s12] =	ssyncadd.s32 $0xFFFFD800  }
0x54: {  	_ =	swait.ge [sflag:s19], $0x2800  }
0x55: {  	[sflag:s19] =	ssyncset.done $0x0  }
0x56: {  	[sflag:s19] =	ssyncadd.s32 $0xFFFFD800  }
0x57: {  	[spmem:s3] =	stream.indirect.scatter.add.f32 [tilespmem:s17], [sflag:$0x3], $0x80, s24, s16, $0xb8;
	[tilespmem:$0x1F380] =	vst v63  }
0x58: {  	_ =	swait.ge [sflag:s12], $0x2800  }
0x59: {  	s25 =	sadd.s32 $0x1, s25;
	[sflag:s12] =	ssyncset.done $0x0  }
0x5a: {  	p0 =	sne.s32 s25, s9;
	[sflag:s12] =	ssyncadd.s32 $0xFFFFD800  }
.Ltmp1:
0x5b: {  	[bflag:$0x0] =	sbarrier.arrive $0xFFFF;
	(pc) =	sbr.rel @p0 .LBB2_1-.Ltmp1, $4  }
0x5c: {  	[hbm:s8], [sflag:s14] =	dma.local [spmem:s15], $0x2780  }
0x5d: {  	_ =	swait.ge [sflag:s12], $0x2780  }
0x5e: {  	[sflag:s12] =	ssyncset.done $0x0  }
0x5f: {  	[sflag:s12] =	ssyncadd.s32 $0xFFFFD880  }
0x60: {  	_ =	sfence.sel $0x180000  }
0x61: {  	[bflag:$0x0] =	sbarrier.arrive $0xFFFF  }
0x62: {  	p0 =	sne.s32 s0, $0x0;
	_ =	strace $0x9000004A  }
0x63: {  	s0 =	sadd.s32 @!p0 $0x100000, s2;
	[bflag:$0x2] =	sbarrier.arrive $0xFFFF  }
0x64: {  	[sflag:s0] =	ssyncadd.tile.s32 @!p0 $0x1;
	_ =	shalt  }
.Lfunc_end2:
_tile_overlayer_lowered:
.L_overlay_start_2:
0x65: {  	(tag) =	ssettag $0x2  }
0x66: {  	s0 =	rddreg [dreg:$0x0];
	s2 =	stileid.u32  }
0x67: {  	s1 =	rddreg [dreg:$0x1];
	p0 =	sne.s32 s2, $0x0  }
0x68: {  	s3 =	rddreg [dreg:$0x2];
	[bflag:$0x3] =	sbarrier.arrive $0xFFFF;
	s2 =	simm.s32 @!p0 $0x1C03  }
0x69: {  	[timem:s3], [sflag:s2] =	dma.local @!p0 [hbm:s0], s1  }
0x6a: {  	s0 =	simm.s32 @!p0 $0x3  }
0x6b: {  	_ =	swait.ge @!p0 [sflag:s0], s1  }
0x6c: {  	s1 =	ssub.s32 @!p0 $0x0, s1;
	[sflag:s0] =	ssyncset.done @!p0 $0x0  }
0x6d: {  	[sflag:s0] =	ssyncadd.s32 @!p0 s1  }
0x6e: {  	[bflag:$0x3] =	sbarrier.arrive $0xFFFF  }
0x6f: {  	_ =	shalt  }

// kernel: kernel.14.cloned.1.call-start
scs
__scs_entry_jumppad:
0x0: {  	(pc) =	sbr.rel $0x88, $3  }
0x1: {  	(tag) =	ssettag $0x0;
	lr =	simm.s32 $0x1  }
0x2: {  	[smem:$0x3F9B] =	sst lr;
	_ =	strace $0xD0000000  }
0x3: {  	_ = 	snop  }
0x4: {  	_ = 	snop  }
0x5: {  	_ = 	snop  }
0x6: {  	_ = 	snop  }
0x7: {  	_ = 	snop  }
__scs_overlays_trampoline_lowered:
0x8: {  	[smem:$0x3FAA] =	sst s0  }
0x9: {  	[smem:$0x3FAB] =	sst s1  }
0xa: {  	[smem:$0x3FAC] =	sst s2  }
0xb: {  	[smem:$0x3FAD] =	sst s3  }
0xc: {  	[smem:$0x3FAE] =	sst s4  }
0xd: {  	[smem:$0x3FAF] =	sst s5  }
0xe: {  	[smem:$0x3FB0] =	sst s6  }
0xf: {  	[smem:$0x3FB1] =	sst s7  }
0x10: {  	[smem:$0x3FB2] =	sst s8  }
0x11: {  	[smem:$0x3FB3] =	sst s9;
	s0 =	simm.s32 @!p0 $0x0  }
0x12: {  	s1 =	sld [smem:$0x3F99];
	s0 =	simm.s32 @p0 $0x1  }
0x13: {  	[smem:$0x3FB4] =	sst s0;
	s0 =	simm.s32 @!p1 $0x0  }
0x14: {  	s2 =	sld [smem:$0x3F98];
	s0 =	simm.s32 @p1 $0x1  }
0x15: {  	[smem:$0x3FB5] =	sst s0;
	s0 =	simm.s32 @!p2 $0x0  }
0x16: {  	s3 =	sld [smem:$0x3FDB];
	s0 =	simm.s32 @p2 $0x1  }
0x17: {  	s4 =	simm.s32 $0x1BF5;
	[smem:$0x3FB7] =	sst s0  }
0x18: {  	s0 =	sld [smem:$0x3F9A];
	_ =	swait.ge [sflag:s4], $0x0  }
0x19: {  	s7 =	sld [smem:$0x3F9B]  }
0x1a: {  	s8 =	sadd.s32 $0xFFFFE003, lr  }
0x1b: {  	s9 =	sadd.s32 $0xFFFFFEF7, lr;
	s5 =	simm.s32 $0xFFFFFFFF;
	p2 =	slt.u32 s8, $0xFFFFF086  }
0x1c: {  	p1 =	slt.u32 s9, $0xF7A;
	s5 =	simm.s32 @!p2 $0x0  }
0x1d: {  	s5 =	simm.s32 @p1 $0x1;
	p0 =	seq.s32 s7, s2  }
0x1e: {  	s7 =	smul.u32 @!p0 $0xF7A, s2;
	p2 =	seq.s32 @!p0 s5, $0x0  }
0x1f: {  	s9 =	smul.u32 $0xF7A, s1;
	s8 =	simm.s32 @!p0 $0x1BF5;
	p2 =	por !p2, p0  }
0x20: {  	[sflag:s8] =	ssyncset.s32 @!p0 $0xFFFFF086;
	s6 =	sadd.s32 @!p0 s3, s7;
	s7 =	simm.s32 @!p0 $0x108  }
0x21: {  	s3 =	sadd.s32 s3, s9;
	s6 =	sadd.s32 @!p0 $0x88, s6;
	s7 =	simm.s32 @p2 $0x1082  }
0x22: {  	[simem:s7], [sflag:s8] =	dma.local @!p0 [hbm:s6], $0xF7A  }
0x23: {  	s9 =	sor.u32 $0xD0000000, s2;
	s6 =	simm.s32 $0x108;
	_ =	swait.ge @!p0 [sflag:s8], $0x0  }
0x24: {  	s3 =	sadd.s32 $0x88, s3;
	s6 =	simm.s32 @!p1 $0x1082;
	[sflag:s4] =	ssyncset.s32 $0xFFFFF086  }
0x25: {  	[simem:s6], [sflag:s4] =	dma.local [hbm:s3], $0xF7A  }
0x26: {  	[smem:$0x3F9B] =	sst s1;
	(tag) =	ssettag s2;
	_ =	strace s9  }
0x27: {  	s1 =	sld [smem:$0x3FAB]  }
0x28: {  	s2 =	sld [smem:$0x3FAC]  }
0x29: {  	s4 =	sld [smem:$0x3FAE]  }
0x2a: {  	p0 =	seq.s32 s5, $0x0;
	s5 =	sld [smem:$0x3FAF]  }
0x2b: {  	s6 =	sld [smem:$0x3FB0]  }
0x2c: {  	s7 =	sld [smem:$0x3FB1]  }
0x2d: {  	s3 =	simm.s32 $0x108;
	s8 =	sld [smem:$0x3FB2]  }
0x2e: {  	s3 =	simm.s32 @!p0 $0x1082;
	s9 =	sld [smem:$0x3FB3]  }
0x2f: {  	lr =	sadd.s32 s0, s3;
	s0 =	sld [smem:$0x3FAA]  }
0x30: {  	s3 =	sld [smem:$0x3FAD]  }
0x31: {  	[smem:$0x3FB6] =	sst s10  }
0x32: {  	s10 =	sld [smem:$0x3FB4];
	_ =	sdelay $0x3  }
0x33: {  	p0 =	seq.s32 s10, $0x1;
	s10 =	sld [smem:$0x3FB6];
	_ =	sdelay $0x3  }
0x34: {  	[smem:$0x3FB6] =	sst s10  }
0x35: {  	s10 =	sld [smem:$0x3FB5];
	_ =	sdelay $0x3  }
0x36: {  	p1 =	seq.s32 s10, $0x1;
	s10 =	sld [smem:$0x3FB6];
	_ =	sdelay $0x3  }
0x37: {  	[smem:$0x3FB6] =	sst s10  }
0x38: {  	s10 =	sld [smem:$0x3FB7]  }
0x39: {  	_ = 	snop;
	(pc) =	sbr.ind lr, $3  }
0x3a: {  	_ = 	snop  }
0x3b: {  	_ = 	snop  }
0x3c: {  	p2 =	seq.s32 s10, $0x1;
	s10 =	sld [smem:$0x3FB6]  }
0x3d: {  	_ =	shalt  }
0x3e: {  	_ =	shalt  }
0x3f: {  	_ =	shalt  }
0x40: {  	_ =	shalt  }
0x41: {  	_ =	shalt  }
0x42: {  	_ =	shalt  }
0x43: {  	_ =	shalt  }
0x44: {  	_ =	shalt  }
0x45: {  	_ =	shalt  }
0x46: {  	_ =	shalt  }
0x47: {  	_ =	shalt  }
0x48: {  	_ =	shalt  }
0x49: {  	_ =	shalt  }
0x4a: {  	_ =	shalt  }
0x4b: {  	_ =	shalt  }
0x4c: {  	_ =	shalt  }
0x4d: {  	_ =	shalt  }
0x4e: {  	_ =	shalt  }
0x4f: {  	_ =	shalt  }
0x50: {  	_ =	shalt  }
0x51: {  	_ =	shalt  }
0x52: {  	_ =	shalt  }
0x53: {  	_ =	shalt  }
0x54: {  	_ =	shalt  }
0x55: {  	_ =	shalt  }
0x56: {  	_ =	shalt  }
0x57: {  	_ =	shalt  }
0x58: {  	_ =	shalt  }
0x59: {  	_ =	shalt  }
0x5a: {  	_ =	shalt  }
0x5b: {  	_ =	shalt  }
0x5c: {  	_ =	shalt  }
0x5d: {  	_ =	shalt  }
0x5e: {  	_ =	shalt  }
0x5f: {  	_ =	shalt  }
0x60: {  	_ =	shalt  }
0x61: {  	_ =	shalt  }
0x62: {  	_ =	shalt  }
0x63: {  	_ =	shalt  }
0x64: {  	_ =	shalt  }
0x65: {  	_ =	shalt  }
0x66: {  	_ =	shalt  }
0x67: {  	_ =	shalt  }
0x68: {  	_ =	shalt  }
0x69: {  	_ =	shalt  }
0x6a: {  	_ =	shalt  }
0x6b: {  	_ =	shalt  }
0x6c: {  	_ =	shalt  }
0x6d: {  	_ =	shalt  }
0x6e: {  	_ =	shalt  }
0x6f: {  	_ =	shalt  }
0x70: {  	_ =	shalt  }
0x71: {  	_ =	shalt  }
0x72: {  	_ =	shalt  }
0x73: {  	_ =	shalt  }
0x74: {  	_ =	shalt  }
0x75: {  	_ =	shalt  }
0x76: {  	_ =	shalt  }
0x77: {  	_ =	shalt  }
0x78: {  	_ =	shalt  }
0x79: {  	_ =	shalt  }
0x7a: {  	_ =	shalt  }
0x7b: {  	_ =	shalt  }
0x7c: {  	_ =	shalt  }
0x7d: {  	_ =	shalt  }
0x7e: {  	_ =	shalt  }
0x7f: {  	_ =	shalt  }
0x80: {  	_ =	shalt  }
0x81: {  	_ =	shalt  }
0x82: {  	_ =	shalt  }
0x83: {  	_ =	shalt  }
0x84: {  	_ =	shalt  }
0x85: {  	_ =	shalt  }
0x86: {  	_ =	shalt  }
0x87: {  	_ =	shalt  }
.Lfunc_end0:
.L_simem_size_0:
called_computation.2_lowered:
.L_overlay_start_0:
0x88: {  	s2 =	sld [smem:$0x3FD9]  }
0x89: {  	s3 =	sld [smem:$0x3FFE];
	_ =	sdelay $0x1  }
0x8a: {  	s1 =	srdreg.scid  }
0x8b: {  	s0 =	sand.u32 $0x1, s1  }
0x8c: {  	s17 =	sshll.u32 s0, $0xA;
	s2 =	sadd.s32 s3, s2  }
0x8d: {  	s2 =	sadd.s32 s2, s17  }
0x8e: {  	[smem:$0x3FC2] =	sst s2  }
0x8f: {  	_ = 	snop  }
0x90: {  	s2 =	sld [smem:$0x3FD0];
	(tm) =	ssettm $0x1  }
0x91: {  	s18 =	sld [smem:$0x3FFB];
	_ =	sdelay $0x3  }
0x92: {  	_ =	strace s18  }
0x93: {  	s3 =	sld [smem:$0x3FFC];
	_ =	sdelay $0x3  }
0x94: {  	_ =	strace s3  }
0x95: {  	s3 =	sld [smem:$0x3FFD];
	_ =	sdelay $0x3  }
0x96: {  	_ =	strace s3  }
0x97: {  	_ =	strace $0x8FFFFFFF  }
0x98: {  	s19 =	sld [smem:$0x3FDB];
	_ =	sdelay $0x1  }
0x99: {  	s4 =	simm.s32 $_scs_section_size  }
0x9a: {  	s5 =	simm.s32 $_size__tile_overlayer_lowered;
	s6 =	simm.s32 $_tile_overlayer_lowered  }
0x9b: {  	s22 =	simm.s32 $0x1BFF;
	s21 =	sshll.u32 s6, $0x1;
	s3 =	sadd.s32 s4, s19  }
0x9c: {  	s7 =	simm.s32 $0x0;
	s20 =	sshll.u32 s5, $0x1;
	s5 =	sadd.s32 s21, s3  }
0x9d: {  	[timem:s7], [sflag:s22] =	dma.local [hbm:s5], s20  }
0x9e: {  	_ =	swait.ge [sflag:s22], s20  }
0x9f: {  	s4 =	ssub.s32 $0x0, s20;
	[sflag:s22] =	ssyncset.done $0x0  }
0xa0: {  	[sflag:s22] =	ssyncadd.s32 s4;
	_ =	sdelay $0x1  }
0xa1: {  	s23 =	simm.s32 $0x1B8B  }
0xa2: {  	_ =	swait.ge [sflag:s23], $0x1  }
0xa3: {  	[sflag:s23] =	ssyncset.done $0x0  }
0xa4: {  	s25 =	simm.s32 $0x1B8E;
	s24 =	sld [smem:$0x3FFE];
	[sflag:s23] =	ssyncadd.s32 $0xFFFFFFFF  }
0xa5: {  	s26 =	simm.s32 $execute0_lowered;
	[smem:$0x3FD2] =	sst s25  }
0xa6: {  	s5 =	sshll.u32 s26, $0x1;
	_ =	strace $0x8000004C;
	[dreg:$0x1] =	wrdreg $0xFFFFFFFF  }
0xa7: {  	s28 =	simm.s32 $_size_execute0_lowered;
	s3 =	sadd.s32 s3, s5;
	[dreg:$0x0] =	wrdreg $0x0  }
0xa8: {  	s5 =	sshll.u32 s28, $0x1;
	[dreg:$0x2] =	wrdreg s3  }
0xa9: {  	[dreg:$0x3] =	wrdreg s5  }
0xaa: {  	[dreg:$0x4] =	wrdreg $0xC0  }
0xab: {  	_ =	task [dreg:s7], $0x5FFFF  }
0xac: {  	[dreg:$0x1] =	wrdreg $0xFFFFFFFF  }
0xad: {  	[dreg:$0x0] =	wrdreg $0x60  }
0xae: {  	[dreg:$0x2] =	wrdreg s2  }
0xaf: {  	[dreg:$0x3] =	wrdreg s24  }
0xb0: {  	[dreg:$0x4] =	wrdreg $0xB7800  }
0xb1: {  	[dreg:$0x5] =	wrdreg $0x9  }
0xb2: {  	_ =	task.clear_ibuf [dreg:s7], $0x6FFFF;
	_ =	strace $0x9000004C  }
0xb3: {  	s29 =	simm.s32 $0x9;
	_ =	strace $0x8000004E  }
0xb4: {  	_ =	swait.ge [sflag:s29], $0x1  }
0xb5: {  	[sflag:s29] =	ssyncadd.s32 $0xFFFFFFFF  }
0xb6: {  	_ =	strace $0x9000004E  }
0xb7: {  	_ =	sfence  }
0xb8: {  	s30 =	sld [smem:$0x0];
	_ =	sdelay $0x2  }
0xb9: {  	s31 =	sshll.u32 s1, $0xD;
	s1 =	sshrl.u32 s1, $0x2  }
0xba: {  	s3 =	sand.u32 $0x4000, s31;
	s1 =	sadd.s32 s1, s30  }
0xbb: {  	s0 =	sor.u32 s3, s0;
	s1 =	sshll.u32 s1, $0x11  }
0xbc: {  	s0 =	sor.u32 s1, s0  }
0xbd: {  	s0 =	sadd.s32 $0x8F2B, s0  }
0xbe: {  	[sflag:s0] =	ssyncadd.remote.s32 $0x1  }
0xbf: {  	_ =	sfence.sel $0xFFFF  }
0xc0: {  	[dreg:$0x0] =	wrdreg $0xFFFFFFFF;
	(pc) =	sbr.abs _section_cstart, $3  }
0xc1: {  	[dreg:$0x1] =	wrdreg $0xFFFFFFFF  }
0xc2: {  	_ =	task.clear_ibuf [dreg:s7], $0x2FFFF;
	_ =	strace $0x9FFFFFFF  }
0xc3: {  	(tm) =	ssettm $0x7FFFFFFF  }
tec
execute0_lowered:
.L_overlay_start_1:
0x0: {  	(tag) =	ssettag $0x1  }
0x1: {  	s1 =	rddreg [dreg:$0x0]  }
0x2: {  	s0 =	srdreg.scid;
	s6 =	rddreg [dreg:$0x1]  }
0x3: {  	s3 =	rddreg [dreg:$0x2];
	s12 =	simm.s32 $0x3;
	s13 =	simm.s32 $0x2780  }
0x4: {  	s16 =	simm.s32 $0x50;
	s17 =	simm.s32 $0x6780;
	s18 =	simm.s32 $0x8F80  }
0x5: {  	s19 =	simm.s32 $0x1;
	s20 =	simm.s32 $0x2;
	s21 =	simm.s32 $0x6480  }
0x6: {  	s22 =	simm.s32 $0x26C0;
	s23 =	simm.s32 $0x6500;
	s5 =	sand.u32 $0x1, s0  }
0x7: {  	s24 =	simm.s32 $0x6580;
	s0 =	stileid.u32;
	s10 =	smul.u32 $0x13C000, s5  }
0x8: {  	s25 =	simm.s32 $0x0;
	s2 =	sshll.u32 s5, $0x4;
	s28 =	smul.u32 $0x13C00, s0  }
0x9: {  	s9 =	sshll.u32 s0, $0x7;
	s29 =	ssub.s32 $0x2, s5;
	s11 =	smul.u32 $0x4F000, s0  }
0xa: {  	s5 =	sadd.s32 $0x1E00, s6;
	s14 =	sshll.u32 s0, $0x6;
	s7 =	sor.u32 s0, s2  }
0xb: {  	s2 =	rddreg [dreg:$0x3];
	s9 =	sand.u32 $0x380, s9;
	s30 =	sshrl.u32 s29, $0x1  }
0xc: {  	s14 =	sor.u32 $0x1C03, s14;
	s4 =	sshrl.u32 s7, $0x3;
	s7 =	sshll.u32 s7, $0xB  }
0xd: {  	s31 =	sshrl.u32 s11, $0x2;
	s11 =	simm.s32 $0x400;
	s8 =	smul.u32 $0x13C00, s4  }
0xe: {  	s4 =	simm.s32 $0x0;
	s7 =	sadd.s32 s7, s6;
	s15 =	sadd.s32 s31, s3  }
0xf: {  	[smem:$0x7FF] =	sst s4;
	s7 =	sadd.s32 $0xBC00, s7;
	s8 =	sor.u32 s9, s8  }
0x10: {  	s15 =	sshrl.u32 s15, $0x3;
	s9 =	sadd.s32 s28, s10;
	s8 =	sshrl.u32 s8, $0x3  }
0x11: {  	_ =	strace $0x8000004D;
	s9 =	sshrl.u32 s9, $0x3;
	s8 =	sadd.s32 s8, s6  }
0x12: {  	s10 =	ssub.s32 s29, s30;
	s9 =	sadd.s32 s9, s6;
	s6 =	sadd.s32 $0x1BC00, s8  }
0x13: {  	s8 =	sadd.s32 $0x25A00, s9;
	s9 =	smax.u32 s10, $0x1;
	s10 =	simm.s32 $0x80  }
.LBB2_1:
0x14: {  	[tilespmem:s4], [sflag:$0x3] =	stream.strided.gather [hbm4b:s6+s10], $0x2780, s11, s10, $0x38;
	[tilespmem:$0x1F380] =	vst v63  }
0x15: {  	_ =	swait.ge [sflag:s12], $0x2780  }
0x16: {  	[sflag:s12] =	ssyncset.done $0x0  }
0x17: {  	[sflag:s12] =	ssyncadd.s32 $0xFFFFD880  }
0x18: {  	[tilespmem:s13], [sflag:$0x3] =	stream.linear.gather [hbm4b:s7+s4], $0x3E80, $0x38;
	[tilespmem:$0x1F380] =	vst v63  }
0x19: {  	_ =	swait.ge [sflag:s12], $0x3E80  }
0x1a: {  	[sflag:s12] =	ssyncset.done $0x0  }
0x1b: {  	[sflag:s12] =	ssyncadd.s32 $0xFFFFC180  }
0x1c: {  	[spmem:s15], [sflag:s14] =	dma.local [hbm:s5], $0x2780  }
0x1d: {  	_ =	swait.ge [sflag:s12], $0x2780  }
0x1e: {  	[sflag:s12] =	ssyncset.done $0x0  }
0x1f: {  	[sflag:s12] =	ssyncadd.s32 $0xFFFFD880  }
0x20: {  	[bflag:$0x0] =	sbarrier.arrive $0xFFFF  }
0x21: {  	[tilespmem:s17], [sflag:$0x1] =	stream.indirect.gather [hbm4b:s1+s16], $0x80, s4, s16, $0xb8;
	[tilespmem:$0x1F380] =	vst v63  }
0x22: {  	_ = 	snop  }
0x23: {  	[tilespmem:s18], [sflag:$0x2] =	stream.indirect.gather [hbm4b:s1+s16], $0x80, s16, s16, $0xb8;
	[tilespmem:$0x1F380] =	vst v63  }
0x24: {  	_ =	swait.ge [sflag:s19], $0x2800  }
0x25: {  	[sflag:s19] =	ssyncset.done $0x0  }
0x26: {  	s26 =	simm.s32 $0x2780;
	[sflag:s19] =	ssyncadd.s32 $0xFFFFD800  }
0x27: {  	[spmem:s3] =	stream.indirect.scatter.add.f32 [tilespmem:s17], [sflag:$0x3], $0x80, s26, s16, $0xb8;
	[tilespmem:$0x1F380] =	vst v63  }
0x28: {  	_ =	swait.ge [sflag:s12], $0x2800  }
0x29: {  	[sflag:s12] =	ssyncset.done $0x0  }
0x2a: {  	s30 =	simm.s32 $0xA0;
	[sflag:s12] =	ssyncadd.s32 $0xFFFFD800  }
0x2b: {  	[tilespmem:s17], [sflag:$0x1] =	stream.indirect.gather [hbm4b:s1+s16], $0x80, s30, s16, $0xb8;
	[tilespmem:$0x1F380] =	vst v63  }
0x2c: {  	_ =	swait.ge [sflag:s20], $0x2800  }
0x2d: {  	[sflag:s20] =	ssyncset.done $0x0  }
0x2e: {  	s31 =	simm.s32 $0x2800;
	[sflag:s20] =	ssyncadd.s32 $0xFFFFD800  }
0x2f: {  	[spmem:s3] =	stream.indirect.scatter.add.f32 [tilespmem:s18], [sflag:$0x3], $0x80, s31, s16, $0xb8;
	[tilespmem:$0x1F380] =	vst v63  }
0x30: {  	_ =	swait.ge [sflag:s12], $0x2800  }
0x31: {  	s28 =	simm.s32 $0x400;
	[sflag:s12] =	ssyncset.done $0x0  }
0x32: {  	s29 =	simm.s32 $0x190;
	s26 =	simm.s32 $0xF0;
	[sflag:s12] =	ssyncadd.s32 $0xFFFFD800  }
.LBB2_2:
0x33: {  	[tilespmem:s18], [sflag:$0x2] =	stream.indirect.gather [hbm4b:s1+s16], $0x80, s26, s16, $0xb8;
	[tilespmem:$0x1F380] =	vst v63  }
0x34: {  	s30 =	smov.u32 s28;
	s26 =	smov.u32 s29  }
0x35: {  	p0 =	sne.s32 s28, $0xF000;
	s28 =	sadd.s32 $0x400, s28;
	_ =	swait.ge [sflag:s19], $0x2800  }
0x36: {  	s30 =	sshra.s32 s30, $0x2;
	[sflag:s19] =	ssyncset.done $0x0  }
0x37: {  	s31 =	sadd.s32 $0x2780, s30;
	[sflag:s19] =	ssyncadd.s32 $0xFFFFD800  }
0x38: {  	[spmem:s3] =	stream.indirect.scatter.add.f32 [tilespmem:s17], [sflag:$0x3], $0x80, s31, s16, $0xb8;
	[tilespmem:$0x1F380] =	vst v63  }
0x39: {  	_ =	swait.ge [sflag:s12], $0x2800  }
0x3a: {  	[sflag:s12] =	ssyncset.done $0x0  }
0x3b: {  	s31 =	sadd.s32 $0xFFFFFFB0, s29;
	[sflag:s12] =	ssyncadd.s32 $0xFFFFD800  }
0x3c: {  	[tilespmem:s17], [sflag:$0x1] =	stream.indirect.gather [hbm4b:s1+s16], $0x80, s31, s16, $0xb8;
	[tilespmem:$0x1F380] =	vst v63  }
0x3d: {  	_ =	swait.ge [sflag:s20], $0x2800  }
0x3e: {  	[sflag:s20] =	ssyncset.done $0x0  }
.Ltmp0:
0x3f: {  	s30 =	sadd.s32 $0x2800, s30;
	[sflag:s20] =	ssyncadd.s32 $0xFFFFD800;
	(pc) =	sbr.rel @p0 .LBB2_2-.Ltmp0, $4  }
0x40: {  	[spmem:s3] =	stream.indirect.scatter.add.f32 [tilespmem:s18], [sflag:$0x3], $0x80, s30, s16, $0xb8;
	[tilespmem:$0x1F380] =	vst v63  }
0x41: {  	_ =	swait.ge [sflag:s12], $0x2800  }
0x42: {  	[sflag:s12] =	ssyncset.done $0x0  }
0x43: {  	s29 =	sadd.s32 $0xA0, s29;
	[sflag:s12] =	ssyncadd.s32 $0xFFFFD800  }
0x44: {  	[tilespmem:s18], [sflag:$0x2] =	stream.indirect.gather [hbm4b:s1+s16], $0x80, s26, s16, $0xb8;
	[tilespmem:$0x1F380] =	vst v63  }
0x45: {  	_ =	swait.ge [sflag:s19], $0x2800  }
0x46: {  	[sflag:s19] =	ssyncset.done $0x0  }
0x47: {  	[sflag:s19] =	ssyncadd.s32 $0xFFFFD800  }
0x48: {  	[spmem:s3] =	stream.indirect.scatter.add.f32 [tilespmem:s17], [sflag:$0x3], $0x80, s21, s16, $0xb8;
	[tilespmem:$0x1F380] =	vst v63  }
0x49: {  	_ =	swait.ge [sflag:s12], $0x2800  }
0x4a: {  	[sflag:s12] =	ssyncset.done $0x0  }
0x4b: {  	[sflag:s12] =	ssyncadd.s32 $0xFFFFD800  }
0x4c: {  	[tilespmem:s17], [sflag:$0x1] =	stream.indirect.gather [hbm4b:s1+s16], $0x80, s22, s16, $0xb8;
	[tilespmem:$0x1F380] =	vst v63  }
0x4d: {  	_ =	swait.ge [sflag:s20], $0x2800  }
0x4e: {  	[sflag:s20] =	ssyncset.done $0x0  }
0x4f: {  	[sflag:s20] =	ssyncadd.s32 $0xFFFFD800  }
0x50: {  	[spmem:s3] =	stream.indirect.scatter.add.f32 [tilespmem:s18], [sflag:$0x3], $0x80, s23, s16, $0xb8;
	[tilespmem:$0x1F380] =	vst v63  }
0x51: {  	_ =	swait.ge [sflag:s12], $0x2800  }
0x52: {  	[sflag:s12] =	ssyncset.done $0x0  }
0x53: {  	[sflag:s12] =	ssyncadd.s32 $0xFFFFD800  }
0x54: {  	_ =	swait.ge [sflag:s19], $0x2800  }
0x55: {  	[sflag:s19] =	ssyncset.done $0x0  }
0x56: {  	[sflag:s19] =	ssyncadd.s32 $0xFFFFD800  }
0x57: {  	[spmem:s3] =	stream.indirect.scatter.add.f32 [tilespmem:s17], [sflag:$0x3], $0x80, s24, s16, $0xb8;
	[tilespmem:$0x1F380] =	vst v63  }
0x58: {  	_ =	swait.ge [sflag:s12], $0x2800  }
0x59: {  	s25 =	sadd.s32 $0x1, s25;
	[sflag:s12] =	ssyncset.done $0x0  }
0x5a: {  	p0 =	sne.s32 s25, s9;
	[sflag:s12] =	ssyncadd.s32 $0xFFFFD800  }
.Ltmp1:
0x5b: {  	[bflag:$0x0] =	sbarrier.arrive $0xFFFF;
	(pc) =	sbr.rel @p0 .LBB2_1-.Ltmp1, $4  }
0x5c: {  	[hbm:s8], [sflag:s14] =	dma.local [spmem:s15], $0x2780  }
0x5d: {  	_ =	swait.ge [sflag:s12], $0x2780  }
0x5e: {  	[sflag:s12] =	ssyncset.done $0x0  }
0x5f: {  	[sflag:s12] =	ssyncadd.s32 $0xFFFFD880  }
0x60: {  	_ =	sfence.sel $0x180000  }
0x61: {  	[bflag:$0x0] =	sbarrier.arrive $0xFFFF  }
0x62: {  	p0 =	sne.s32 s0, $0x0;
	_ =	strace $0x9000004D  }
0x63: {  	s0 =	sadd.s32 @!p0 $0x100000, s2;
	[bflag:$0x2] =	sbarrier.arrive $0xFFFF  }
0x64: {  	[sflag:s0] =	ssyncadd.tile.s32 @!p0 $0x1;
	_ =	shalt  }
.Lfunc_end2:
_tile_overlayer_lowered:
.L_overlay_start_2:
0x65: {  	(tag) =	ssettag $0x2  }
0x66: {  	s0 =	rddreg [dreg:$0x0];
	s2 =	stileid.u32  }
0x67: {  	s1 =	rddreg [dreg:$0x1];
	p0 =	sne.s32 s2, $0x0  }
0x68: {  	s3 =	rddreg [dreg:$0x2];
	[bflag:$0x3] =	sbarrier.arrive $0xFFFF;
	s2 =	simm.s32 @!p0 $0x1C03  }
0x69: {  	[timem:s3], [sflag:s2] =	dma.local @!p0 [hbm:s0], s1  }
0x6a: {  	s0 =	simm.s32 @!p0 $0x3  }
0x6b: {  	_ =	swait.ge @!p0 [sflag:s0], s1  }
0x6c: {  	s1 =	ssub.s32 @!p0 $0x0, s1;
	[sflag:s0] =	ssyncset.done @!p0 $0x0  }
0x6d: {  	[sflag:s0] =	ssyncadd.s32 @!p0 s1  }
0x6e: {  	[bflag:$0x3] =	sbarrier.arrive $0xFFFF  }
0x6f: {  	_ =	shalt  }

// kernel: kernel.8.cloned.1.call-start
scs
__scs_entry_jumppad:
0x0: {  	(pc) =	sbr.rel $0x88, $3  }
0x1: {  	(tag) =	ssettag $0x0;
	lr =	simm.s32 $0x1  }
0x2: {  	[smem:$0x3F9B] =	sst lr;
	_ =	strace $0xD0000000  }
0x3: {  	_ = 	snop  }
0x4: {  	_ = 	snop  }
0x5: {  	_ = 	snop  }
0x6: {  	_ = 	snop  }
0x7: {  	_ = 	snop  }
__scs_overlays_trampoline_lowered:
0x8: {  	[smem:$0x3FAA] =	sst s0  }
0x9: {  	[smem:$0x3FAB] =	sst s1  }
0xa: {  	[smem:$0x3FAC] =	sst s2  }
0xb: {  	[smem:$0x3FAD] =	sst s3  }
0xc: {  	[smem:$0x3FAE] =	sst s4  }
0xd: {  	[smem:$0x3FAF] =	sst s5  }
0xe: {  	[smem:$0x3FB0] =	sst s6  }
0xf: {  	[smem:$0x3FB1] =	sst s7  }
0x10: {  	[smem:$0x3FB2] =	sst s8  }
0x11: {  	[smem:$0x3FB3] =	sst s9;
	s0 =	simm.s32 @!p0 $0x0  }
0x12: {  	s1 =	sld [smem:$0x3F99];
	s0 =	simm.s32 @p0 $0x1  }
0x13: {  	[smem:$0x3FB4] =	sst s0;
	s0 =	simm.s32 @!p1 $0x0  }
0x14: {  	s2 =	sld [smem:$0x3F98];
	s0 =	simm.s32 @p1 $0x1  }
0x15: {  	[smem:$0x3FB5] =	sst s0;
	s0 =	simm.s32 @!p2 $0x0  }
0x16: {  	s3 =	sld [smem:$0x3FDB];
	s0 =	simm.s32 @p2 $0x1  }
0x17: {  	s4 =	simm.s32 $0x1BF5;
	[smem:$0x3FB7] =	sst s0  }
0x18: {  	s0 =	sld [smem:$0x3F9A];
	_ =	swait.ge [sflag:s4], $0x0  }
0x19: {  	s7 =	sld [smem:$0x3F9B]  }
0x1a: {  	s8 =	sadd.s32 $0xFFFFE003, lr  }
0x1b: {  	s9 =	sadd.s32 $0xFFFFFEF7, lr;
	s5 =	simm.s32 $0xFFFFFFFF;
	p2 =	slt.u32 s8, $0xFFFFF086  }
0x1c: {  	p1 =	slt.u32 s9, $0xF7A;
	s5 =	simm.s32 @!p2 $0x0  }
0x1d: {  	s5 =	simm.s32 @p1 $0x1;
	p0 =	seq.s32 s7, s2  }
0x1e: {  	s7 =	smul.u32 @!p0 $0xF7A, s2;
	p2 =	seq.s32 @!p0 s5, $0x0  }
0x1f: {  	s9 =	smul.u32 $0xF7A, s1;
	s8 =	simm.s32 @!p0 $0x1BF5;
	p2 =	por !p2, p0  }
0x20: {  	[sflag:s8] =	ssyncset.s32 @!p0 $0xFFFFF086;
	s6 =	sadd.s32 @!p0 s3, s7;
	s7 =	simm.s32 @!p0 $0x108  }
0x21: {  	s3 =	sadd.s32 s3, s9;
	s6 =	sadd.s32 @!p0 $0x88, s6;
	s7 =	simm.s32 @p2 $0x1082  }
0x22: {  	[simem:s7], [sflag:s8] =	dma.local @!p0 [hbm:s6], $0xF7A  }
0x23: {  	s9 =	sor.u32 $0xD0000000, s2;
	s6 =	simm.s32 $0x108;
	_ =	swait.ge @!p0 [sflag:s8], $0x0  }
0x24: {  	s3 =	sadd.s32 $0x88, s3;
	s6 =	simm.s32 @!p1 $0x1082;
	[sflag:s4] =	ssyncset.s32 $0xFFFFF086  }
0x25: {  	[simem:s6], [sflag:s4] =	dma.local [hbm:s3], $0xF7A  }
0x26: {  	[smem:$0x3F9B] =	sst s1;
	(tag) =	ssettag s2;
	_ =	strace s9  }
0x27: {  	s1 =	sld [smem:$0x3FAB]  }
0x28: {  	s2 =	sld [smem:$0x3FAC]  }
0x29: {  	s4 =	sld [smem:$0x3FAE]  }
0x2a: {  	p0 =	seq.s32 s5, $0x0;
	s5 =	sld [smem:$0x3FAF]  }
0x2b: {  	s6 =	sld [smem:$0x3FB0]  }
0x2c: {  	s7 =	sld [smem:$0x3FB1]  }
0x2d: {  	s3 =	simm.s32 $0x108;
	s8 =	sld [smem:$0x3FB2]  }
0x2e: {  	s3 =	simm.s32 @!p0 $0x1082;
	s9 =	sld [smem:$0x3FB3]  }
0x2f: {  	lr =	sadd.s32 s0, s3;
	s0 =	sld [smem:$0x3FAA]  }
0x30: {  	s3 =	sld [smem:$0x3FAD]  }
0x31: {  	[smem:$0x3FB6] =	sst s10  }
0x32: {  	s10 =	sld [smem:$0x3FB4];
	_ =	sdelay $0x3  }
0x33: {  	p0 =	seq.s32 s10, $0x1;
	s10 =	sld [smem:$0x3FB6];
	_ =	sdelay $0x3  }
0x34: {  	[smem:$0x3FB6] =	sst s10  }
0x35: {  	s10 =	sld [smem:$0x3FB5];
	_ =	sdelay $0x3  }
0x36: {  	p1 =	seq.s32 s10, $0x1;
	s10 =	sld [smem:$0x3FB6];
	_ =	sdelay $0x3  }
0x37: {  	[smem:$0x3FB6] =	sst s10  }
0x38: {  	s10 =	sld [smem:$0x3FB7]  }
0x39: {  	_ = 	snop;
	(pc) =	sbr.ind lr, $3  }
0x3a: {  	_ = 	snop  }
0x3b: {  	_ = 	snop  }
0x3c: {  	p2 =	seq.s32 s10, $0x1;
	s10 =	sld [smem:$0x3FB6]  }
0x3d: {  	_ =	shalt  }
0x3e: {  	_ =	shalt  }
0x3f: {  	_ =	shalt  }
0x40: {  	_ =	shalt  }
0x41: {  	_ =	shalt  }
0x42: {  	_ =	shalt  }
0x43: {  	_ =	shalt  }
0x44: {  	_ =	shalt  }
0x45: {  	_ =	shalt  }
0x46: {  	_ =	shalt  }
0x47: {  	_ =	shalt  }
0x48: {  	_ =	shalt  }
0x49: {  	_ =	shalt  }
0x4a: {  	_ =	shalt  }
0x4b: {  	_ =	shalt  }
0x4c: {  	_ =	shalt  }
0x4d: {  	_ =	shalt  }
0x4e: {  	_ =	shalt  }
0x4f: {  	_ =	shalt  }
0x50: {  	_ =	shalt  }
0x51: {  	_ =	shalt  }
0x52: {  	_ =	shalt  }
0x53: {  	_ =	shalt  }
0x54: {  	_ =	shalt  }
0x55: {  	_ =	shalt  }
0x56: {  	_ =	shalt  }
0x57: {  	_ =	shalt  }
0x58: {  	_ =	shalt  }
0x59: {  	_ =	shalt  }
0x5a: {  	_ =	shalt  }
0x5b: {  	_ =	shalt  }
0x5c: {  	_ =	shalt  }
0x5d: {  	_ =	shalt  }
0x5e: {  	_ =	shalt  }
0x5f: {  	_ =	shalt  }
0x60: {  	_ =	shalt  }
0x61: {  	_ =	shalt  }
0x62: {  	_ =	shalt  }
0x63: {  	_ =	shalt  }
0x64: {  	_ =	shalt  }
0x65: {  	_ =	shalt  }
0x66: {  	_ =	shalt  }
0x67: {  	_ =	shalt  }
0x68: {  	_ =	shalt  }
0x69: {  	_ =	shalt  }
0x6a: {  	_ =	shalt  }
0x6b: {  	_ =	shalt  }
0x6c: {  	_ =	shalt  }
0x6d: {  	_ =	shalt  }
0x6e: {  	_ =	shalt  }
0x6f: {  	_ =	shalt  }
0x70: {  	_ =	shalt  }
0x71: {  	_ =	shalt  }
0x72: {  	_ =	shalt  }
0x73: {  	_ =	shalt  }
0x74: {  	_ =	shalt  }
0x75: {  	_ =	shalt  }
0x76: {  	_ =	shalt  }
0x77: {  	_ =	shalt  }
0x78: {  	_ =	shalt  }
0x79: {  	_ =	shalt  }
0x7a: {  	_ =	shalt  }
0x7b: {  	_ =	shalt  }
0x7c: {  	_ =	shalt  }
0x7d: {  	_ =	shalt  }
0x7e: {  	_ =	shalt  }
0x7f: {  	_ =	shalt  }
0x80: {  	_ =	shalt  }
0x81: {  	_ =	shalt  }
0x82: {  	_ =	shalt  }
0x83: {  	_ =	shalt  }
0x84: {  	_ =	shalt  }
0x85: {  	_ =	shalt  }
0x86: {  	_ =	shalt  }
0x87: {  	_ =	shalt  }
.Lfunc_end0:
.L_simem_size_0:
called_computation_lowered:
.L_overlay_start_0:
0x88: {  	s2 =	sld [smem:$0x3FD9]  }
0x89: {  	s3 =	sld [smem:$0x3FFE];
	_ =	sdelay $0x1  }
0x8a: {  	s1 =	srdreg.scid  }
0x8b: {  	s0 =	sand.u32 $0x1, s1  }
0x8c: {  	s17 =	sshll.u32 s0, $0xA;
	s2 =	sadd.s32 s3, s2  }
0x8d: {  	s2 =	sadd.s32 s2, s17  }
0x8e: {  	[smem:$0x3FC2] =	sst s2  }
0x8f: {  	_ = 	snop  }
0x90: {  	s2 =	sld [smem:$0x3FD0];
	(tm) =	ssettm $0x1  }
0x91: {  	s18 =	sld [smem:$0x3FFB];
	_ =	sdelay $0x3  }
0x92: {  	_ =	strace s18  }
0x93: {  	s3 =	sld [smem:$0x3FFC];
	_ =	sdelay $0x3  }
0x94: {  	_ =	strace s3  }
0x95: {  	s3 =	sld [smem:$0x3FFD];
	_ =	sdelay $0x3  }
0x96: {  	_ =	strace s3  }
0x97: {  	_ =	strace $0x8FFFFFFF  }
0x98: {  	s19 =	sld [smem:$0x3FDB];
	_ =	sdelay $0x1  }
0x99: {  	s4 =	simm.s32 $_scs_section_size  }
0x9a: {  	s5 =	simm.s32 $_size__tile_overlayer_lowered;
	s6 =	simm.s32 $_tile_overlayer_lowered  }
0x9b: {  	s22 =	simm.s32 $0x1BFF;
	s21 =	sshll.u32 s6, $0x1;
	s3 =	sadd.s32 s4, s19  }
0x9c: {  	s7 =	simm.s32 $0x0;
	s20 =	sshll.u32 s5, $0x1;
	s5 =	sadd.s32 s21, s3  }
0x9d: {  	[timem:s7], [sflag:s22] =	dma.local [hbm:s5], s20  }
0x9e: {  	_ =	swait.ge [sflag:s22], s20  }
0x9f: {  	s4 =	ssub.s32 $0x0, s20;
	[sflag:s22] =	ssyncset.done $0x0  }
0xa0: {  	[sflag:s22] =	ssyncadd.s32 s4;
	_ =	sdelay $0x1  }
0xa1: {  	s23 =	simm.s32 $0x1B8B  }
0xa2: {  	_ =	swait.ge [sflag:s23], $0x1  }
0xa3: {  	[sflag:s23] =	ssyncset.done $0x0  }
0xa4: {  	s25 =	simm.s32 $0x1B8E;
	s24 =	sld [smem:$0x3FFE];
	[sflag:s23] =	ssyncadd.s32 $0xFFFFFFFF  }
0xa5: {  	s26 =	simm.s32 $execute0_lowered;
	[smem:$0x3FD2] =	sst s25  }
0xa6: {  	s5 =	sshll.u32 s26, $0x1;
	_ =	strace $0x80000046;
	[dreg:$0x1] =	wrdreg $0xFFFFFFFF  }
0xa7: {  	s28 =	simm.s32 $_size_execute0_lowered;
	s3 =	sadd.s32 s3, s5;
	[dreg:$0x0] =	wrdreg $0x0  }
0xa8: {  	s5 =	sshll.u32 s28, $0x1;
	[dreg:$0x2] =	wrdreg s3  }
0xa9: {  	[dreg:$0x3] =	wrdreg s5  }
0xaa: {  	[dreg:$0x4] =	wrdreg $0xC0  }
0xab: {  	_ =	task [dreg:s7], $0x5FFFF  }
0xac: {  	[dreg:$0x1] =	wrdreg $0xFFFFFFFF  }
0xad: {  	[dreg:$0x0] =	wrdreg $0x60  }
0xae: {  	[dreg:$0x2] =	wrdreg s2  }
0xaf: {  	[dreg:$0x3] =	wrdreg s24  }
0xb0: {  	[dreg:$0x4] =	wrdreg $0x9  }
0xb1: {  	_ =	task.clear_ibuf [dreg:s7], $0x5FFFF;
	_ =	strace $0x90000046  }
0xb2: {  	s29 =	simm.s32 $0x9;
	_ =	strace $0x80000048  }
0xb3: {  	_ =	swait.ge [sflag:s29], $0x1  }
0xb4: {  	[sflag:s29] =	ssyncadd.s32 $0xFFFFFFFF  }
0xb5: {  	_ =	strace $0x90000048  }
0xb6: {  	_ =	sfence  }
0xb7: {  	s30 =	sld [smem:$0x0];
	_ =	sdelay $0x2  }
0xb8: {  	s31 =	sshll.u32 s1, $0xD;
	s1 =	sshrl.u32 s1, $0x2  }
0xb9: {  	s3 =	sand.u32 $0x4000, s31;
	s1 =	sadd.s32 s1, s30  }
0xba: {  	s0 =	sor.u32 s3, s0;
	s1 =	sshll.u32 s1, $0x11  }
0xbb: {  	s0 =	sor.u32 s1, s0  }
0xbc: {  	s0 =	sadd.s32 $0x8F2B, s0  }
0xbd: {  	[sflag:s0] =	ssyncadd.remote.s32 $0x1  }
0xbe: {  	_ =	sfence.sel $0xFFFF  }
0xbf: {  	[dreg:$0x0] =	wrdreg $0xFFFFFFFF;
	(pc) =	sbr.abs _section_cstart, $3  }
0xc0: {  	[dreg:$0x1] =	wrdreg $0xFFFFFFFF  }
0xc1: {  	_ =	task.clear_ibuf [dreg:s7], $0x2FFFF;
	_ =	strace $0x9FFFFFFF  }
0xc2: {  	(tm) =	ssettm $0x7FFFFFFF  }
0xc3: {  	_ =	shalt  }
tec
execute0_lowered:
.L_overlay_start_1:
0x0: {  	(tag) =	ssettag $0x1  }
0x1: {  	s0 =	srdreg.scid  }
0x2: {  	s3 =	sand.u32 $0x1, s0  }
0x3: {  	s4 =	rddreg [dreg:$0x0];
	s0 =	stileid.u32;
	s1 =	sshll.u32 s3, $0x4  }
0x4: {  	s6 =	rddreg [dreg:$0x1];
	s2 =	simm.s32 $0x0;
	s1 =	sor.u32 s0, s1  }
0x5: {  	s8 =	simm.s32 $0x1;
	s9 =	simm.s32 $0x2780;
	s1 =	sshrl.u32 s1, $0x3  }
0x6: {  	s10 =	simm.s32 $0x0;
	s30 =	sshll.u32 s0, $0x7;
	s5 =	smul.u32 $0x13C00, s1  }
0x7: {  	[smem:$0x7FF] =	sst s2;
	s3 =	ssub.s32 $0x2, s3;
	s7 =	sand.u32 $0x380, s30  }
0x8: {  	s31 =	sshrl.u32 s3, $0x1;
	s1 =	rddreg [dreg:$0x2];
	s5 =	sor.u32 s7, s5  }
0x9: {  	_ =	strace $0x80000047;
	s7 =	ssub.s32 s3, s31;
	s5 =	sshrl.u32 s5, $0x3  }
0xa: {  	s6 =	sadd.s32 s5, s6;
	s3 =	sadd.s32 s4, s5;
	s5 =	smax.u32 s7, $0x1  }
0xb: {  	v0 =	vimm.f32 $0.0e+00;
	v1 =	vimm.f32 $1.000000000e+00;
	s7 =	simm.s32 $0x400;
	s4 =	sadd.s32 $0x1E00, s6;
	s6 =	simm.s32 $0x80  }
.LBB2_1:
0xc: {  	[tilespmem:s2], [sflag:$0x1] =	stream.strided.gather [hbm4b:s3+s6], $0x2780, s7, s6, $0x38;
	[tilespmem:$0x4F00] =	vst v63  }
0xd: {  	_ =	swait.ge [sflag:s8], $0x2780  }
0xe: {  	[sflag:s8] =	ssyncset.done $0x0  }
0xf: {  	s11 =	simm.s32 $0x0;
	[sflag:s8] =	ssyncadd.s32 $0xFFFFD880  }
.LBB2_2:
0x10: {  	p0 =	sne.s32 s11, $0x9DC0  }
.Ltmp0:
0x11: {  	_ = 	snop;
	(pc) =	sbr.rel @p0 .LBB2_2-.Ltmp0, $3  }
0x12: {  	_ =	sdelay $0x1  }
0x13: {  	s12 =	sshra.s32 s11, $0x2  }
0x14: {  	s11 =	sadd.s32 $0x40, s11;
	[tilespmem:s12+$0x2780] =	vst v0  }
0x15: {  	s12 =	simm.s32 $0x0;
	s11 =	simm.s32 $0x40  }
.LBB2_4:
0x16: {  	p0 =	sne.s32 s11, $0x9C00;
	v2 =	vld [tilespmem:s12+$0x0];
	_ =	sdelay $0x3  }
.Ltmp1:
0x17: {  	(pc) =	sbr.rel @p0 .LBB2_4-.Ltmp1, $2  }
0x18: {  	_ =	sdelay $0x2  }
0x19: {  	s12 =	sshra.s32 s11, $0x2;
	s11 =	sadd.s32 $0x40, s11;
	[tilespmem:v2+s9+$0x0] =	vst.idx.add.f32.msk $0xffff, v1  }
0x1a: {  	v2 =	vld [tilespmem:s12+$0x0];
	_ =	sdelay $0x5  }
0x1b: {  	s10 =	sadd.s32 $0x1, s10  }
0x1c: {  	p0 =	sne.s32 s10, s5  }
.Ltmp2:
0x1d: {  	[tilespmem:v2+s9+$0x0] =	vst.idx.add.f32.msk $0xffff, v1;
	(pc) =	sbr.rel @p0 .LBB2_1-.Ltmp2, $4  }
0x1e: {  	[hbm4b:s4+s6] =	stream.strided.scatter [tilespmem:s9], [sflag:$0x1], $0x2780, s7, s6, $0x38;
	[tilespmem:$0x4F00] =	vst v63  }
0x1f: {  	_ =	swait.ge [sflag:s8], $0x2780  }
0x20: {  	[sflag:s8] =	ssyncset.done $0x0  }
0x21: {  	[sflag:s8] =	ssyncadd.s32 $0xFFFFD880  }
0x22: {  	_ =	sfence.sel $0x180000  }
0x23: {  	[bflag:$0x0] =	sbarrier.arrive $0xFFFF  }
0x24: {  	p0 =	sne.s32 s0, $0x0;
	_ =	strace $0x90000047  }
0x25: {  	s0 =	sadd.s32 @!p0 $0x100000, s1;
	[bflag:$0x2] =	sbarrier.arrive $0xFFFF  }
0x26: {  	[sflag:s0] =	ssyncadd.tile.s32 @!p0 $0x1;
	_ =	shalt  }
.Lfunc_end2:
_tile_overlayer_lowered:
.L_overlay_start_2:
0x27: {  	(tag) =	ssettag $0x2  }
0x28: {  	s0 =	rddreg [dreg:$0x0];
	s2 =	stileid.u32  }
0x29: {  	s1 =	rddreg [dreg:$0x1];
	p0 =	sne.s32 s2, $0x0  }
0x2a: {  	s3 =	rddreg [dreg:$0x2];
	[bflag:$0x3] =	sbarrier.arrive $0xFFFF;
	s2 =	simm.s32 @!p0 $0x1C01  }
0x2b: {  	[timem:s3], [sflag:s2] =	dma.local @!p0 [hbm:s0], s1  }
0x2c: {  	s0 =	simm.s32 @!p0 $0x1  }
0x2d: {  	_ =	swait.ge @!p0 [sflag:s0], s1  }
0x2e: {  	s1 =	ssub.s32 @!p0 $0x0, s1;
	[sflag:s0] =	ssyncset.done @!p0 $0x0  }
0x2f: {  	[sflag:s0] =	ssyncadd.s32 @!p0 s1  }
0x30: {  	[bflag:$0x3] =	sbarrier.arrive $0xFFFF  }
0x31: {  	_ =	shalt  }

</sc_bundles>
